<compile_context>
chip_gen: v7x
topology: tpu7x:2x2x1
jax: 0.10.2.dev20260603
libtpu: 0.0.44.dev20260713+nightly
codegen_flags: <defaults>
</compile_context>

<pallas_src>
import functools

import jax
import jax.numpy as jnp
import numpy as np
from jax import lax
from jax.experimental import pallas as pl
from jax.experimental.pallas import tpu as pltpu
from jax.experimental.pallas import tpu_sc as plsc

_PATCH_COLS = (11 * 25 + 11, 12 * 25 + 11, 13 * 25 + 11)


def _tc_table_body(w3_ref, w5_ref, w7_ref, b3_ref, b5_ref, b7_ref, xf_ref,
                   w1_ref, b1_ref, w2_ref, b2_ref, out_ref):
    xf = xf_ref[...]
    xp = jnp.sum(xf, axis=2) * (1.0 / 625.0)
    z3 = jnp.zeros((5, 3), jnp.float32)
    xpad = jnp.concatenate([z3, xp, z3], axis=1)
    bsum = b3_ref[0] + b5_ref[0] + b7_ref[0]
    acc = xp + bsum
    for t in range(7):
        wc = w7_ref[3, t]
        if 1 <= t <= 5:
            wc = wc + w5_ref[2, t - 1]
        if 2 <= t <= 4:
            wc = wc + w3_ref[1, t - 2]
        acc = acc + wc * xpad[:, t:t + 256]
    h = lax.dot_general(acc, w1_ref[...], (((1,), (1,)), ((), ())),
                        preferred_element_type=jnp.float32) + b1_ref[...]
    h = jnp.maximum(h, 0.0)
    a = lax.dot_general(h, w2_ref[...], (((1,), (1,)), ((), ())),
                        preferred_element_type=jnp.float32) + b2_ref[...]
    attn = jax.nn.sigmoid(a)
    s = attn[:, :, None]
    c0, c1, c2 = _PATCH_COLS
    patch = jnp.concatenate(
        [xf[:, :, c0:c0 + 3], xf[:, :, c1:c1 + 3], xf[:, :, c2:c2 + 3],
         jnp.zeros((5, 256, 7), jnp.float32)], axis=2)
    out_ref[...] = patch * s


def _build_table(xf, w3, w5, w7, b3, b5, b7, w1, b1, w2, b2):
    smem = pl.BlockSpec(memory_space=pltpu.SMEM)
    vmem = pl.BlockSpec(memory_space=pltpu.VMEM)
    return pl.pallas_call(
        _tc_table_body,
        out_shape=jax.ShapeDtypeStruct((5, 256, 16), jnp.float32),
        in_specs=[smem, smem, smem, smem, smem, smem, vmem, vmem, vmem, vmem,
                  vmem],
        out_specs=vmem,
    )(w3, w5, w7, b3, b5, b7, xf, w1, b1, w2, b2)


def _sc_gather(table, idx1d, n_workers):
    rows_per_w = 1024
    mesh = plsc.VectorSubcoreMesh(core_axis_name="c", subcore_axis_name="s")
    nc = plsc.get_sparse_core_info().num_cores

    @functools.partial(
        pl.kernel,
        mesh=mesh,
        compiler_params=pltpu.CompilerParams(needs_layout_passes=False),
        out_type=jax.ShapeDtypeStruct((n_workers, 9, rows_per_w), jnp.float32),
        scratch_types=[
            pltpu.VMEM((5 * 256 * 16,), jnp.float32),
            pltpu.VMEM((rows_per_w,), jnp.int32),
            pltpu.VMEM((9, rows_per_w), jnp.float32),
        ],
    )
    def k(table_hbm, idx_hbm, out_hbm, table_v, idx_v, buf_v):
        wid = lax.axis_index("s") * nc + lax.axis_index("c")
        pltpu.sync_copy(table_hbm, table_v)
        pltpu.sync_copy(idx_hbm.at[pl.ds(wid * rows_per_w, rows_per_w)], idx_v)

        def body(i, carry):
            for u in range(4):
                off = i * 64 + u * 16
                addr = idx_v[pl.ds(off, 16)] * 16
                for c in range(9):
                    v = plsc.load_gather(table_v, [addr + c])
                    buf_v[c, pl.ds(off, 16)] = v
            return carry

        lax.fori_loop(0, rows_per_w // 64, body, 0)
        pltpu.sync_copy(buf_v, out_hbm.at[wid])

    return k(table, idx1d)


def _gather_indices(B, C):
    np.random.seed(0)
    idx = np.empty((B, 5, 100), np.int64)
    for i in range(B):
        for k in range(5):
            idx[i, k] = np.random.randint(0, C, 100)
    g = np.empty((B, 5, 100), np.int64)
    for m in range(5):
        g[:, m, :] = (4 - m) * C + idx[:, 4 - m, :]
    return g.reshape(-1)


def kernel(x, conv1_w, conv1_b, conv2_w, conv2_b, conv3_w, conv3_b,
           fc1_w, fc1_b, fc2_w, fc2_b):
    B, C, H, W = x.shape
    xf = x[:5].reshape(5, C, H * W)

    w3 = conv1_w.reshape(3, 3)
    w5 = conv2_w.reshape(5, 5)
    w7 = conv3_w.reshape(7, 7)
    w1 = fc1_w.reshape(C // 16, C)
    w2 = fc2_w.reshape(C, C // 16)
    b1 = fc1_b.reshape(1, -1)
    b2 = fc2_b.reshape(1, -1)

    table = _build_table(xf, w3, w5, w7, conv1_b, conv2_b, conv3_b,
                         w1, b1, w2, b2).reshape(5 * C * 16)

    n_workers = 32
    total = n_workers * 1024
    gflat = np.zeros(total, np.int32)
    gflat[:B * 500] = _gather_indices(B, C)

    cols = _sc_gather(table, jnp.asarray(gflat), n_workers)
    rows = jnp.transpose(cols, (0, 2, 1)).reshape(total, 9)
    return rows[:B * 500].reshape(B, 5, 100, 3, 3)

# --- scband reference (transcript-rebuilt; emitter-appended) ---
"""Pipeline reference for scband-se-kg-module-66838281060868 (READ-ONLY COPY).

The authoritative reference and input builder live on the scoring server;
editing this copy changes nothing except your own understanding.
"""

import jax, jax.numpy as jnp
import numpy as np


def _conv2d(x, w, b, pad):
    out = jax.lax.conv_general_dilated(x, w, window_strides=(1, 1), padding=((pad, pad), (pad, pad)), dimension_numbers=('NCHW', 'OIHW', 'NCHW'))
    return out + b.reshape(1, -1, 1, 1)


def _forward(x, conv1_w, conv1_b, conv2_w, conv2_b, conv3_w, conv3_b, fc1_w, fc1_b, fc2_w, fc2_b):
    B, C, H, W = x.shape
    cut = 12  # int((25 - 1) / 2)
    # squeeze: global average pool -> [B, C, 1, 1]
    xp = jnp.mean(x, axis=(2, 3), keepdims=True)
    # transpose(1, 3) -> [B, 1, 1, C]
    spe = jnp.transpose(xp, (0, 3, 2, 1))
    f3 = _conv2d(spe, conv1_w, conv1_b, 1)
    f5 = _conv2d(spe, conv2_w, conv2_b, 2)
    f7 = _conv2d(spe, conv3_w, conv3_b, 3)
    x1_3 = jnp.transpose(f3, (0, 3, 2, 1))
    x1_5 = jnp.transpose(f5, (0, 3, 2, 1))
    x1_7 = jnp.transpose(f7, (0, 3, 2, 1))
    xa = xp + x1_3 + x1_5 + x1_7
    xa = _conv2d(xa, fc1_w, fc1_b, 0)
    xa = jax.nn.relu(xa)
    xa = _conv2d(xa, fc2_w, fc2_b, 0)
    attn = jax.nn.sigmoid(xa)
    original = x * attn
    # expanded view: expanded[i, j] == original[j]; slicing expanded[i:i+1, k:k+1, idx, cut-1:cut+2, cut-1:cut+2]
    # equals original[k, idx, cut-1:cut+2, cut-1:cut+2][None, None]
    np.random.seed(0)
    rows = []
    for i in range(B):
        blocks = []
        for k in range(5):
            idx = np.random.randint(0, C, 100)
            s = original[k, idx, cut - 1:cut + 2, cut - 1:cut + 2][None, None]
            # torch.cat((spectrum_kernel_s, spectrum_kernel_all), dim=1): newest first
            blocks.insert(0, s)
        rows.append(jnp.concatenate(blocks, axis=1))
    spectrum = jnp.concatenate(rows, axis=0)
    return spectrum


def setup_inputs(seed: int = 0):
    key = jax.random.key(seed)
    ks = jax.random.split(key, 11)
    C, R = 256, 16
    return {
        'x': jax.random.normal(ks[0], (64, C, 25, 25), dtype=jnp.float32),
        'conv1_w': jax.random.normal(ks[1], (1, 1, 3, 3), dtype=jnp.float32) * 0.1,
        'conv1_b': jax.random.normal(ks[2], (1,), dtype=jnp.float32) * 0.01,
        'conv2_w': jax.random.normal(ks[3], (1, 1, 5, 5), dtype=jnp.float32) * 0.1,
        'conv2_b': jax.random.normal(ks[4], (1,), dtype=jnp.float32) * 0.01,
        'conv3_w': jax.random.normal(ks[5], (1, 1, 7, 7), dtype=jnp.float32) * 0.1,
        'conv3_b': jax.random.normal(ks[6], (1,), dtype=jnp.float32) * 0.01,
        'fc1_w': jax.random.normal(ks[7], (C // R, C, 1, 1), dtype=jnp.float32) * 0.05,
        'fc1_b': jnp.zeros((C // R,), dtype=jnp.float32),
        'fc2_w': jax.random.normal(ks[8], (C, C // R, 1, 1), dtype=jnp.float32) * 0.05,
        'fc2_b': jnp.zeros((C,), dtype=jnp.float32),
    }


def reference(x, conv1_w, conv1_b, conv2_w, conv2_b, conv3_w, conv3_b, fc1_w, fc1_b, fc2_w, fc2_b):
    return _forward(x, conv1_w, conv1_b, conv2_w, conv2_b, conv3_w, conv3_b, fc1_w, fc1_b, fc2_w, fc2_b)

if __name__ == "__main__":
    import jax
    _d = setup_inputs()
    print(jax.jit(kernel)(*tuple(_d.values())))

</pallas_src>

<mosaic_0001>
#map = affine_map<(d0, d1) -> (0)>
#map1 = affine_map<(d0, d1) -> (0, 0, 0)>
module attributes {stable_mosaic.version = 14 : i64} {
  func.func @k(%arg0: i32, %arg1: i32, %arg2: memref<20480xf32, #tpu.memory_space<hbm>>, %arg3: memref<32768xi32, #tpu.memory_space<hbm>>, %arg4: memref<32x9x1024xf32, #tpu.memory_space<hbm>>, %arg5: memref<20480xf32, #tpu.memory_space<vmem>>, %arg6: memref<1024xi32, #tpu.memory_space<vmem>>, %arg7: memref<9x1024xf32, #tpu.memory_space<vmem>>) attributes {dimension_semantics = [#tpu.dimension_semantics<core_parallel>, #tpu.dimension_semantics<subcore_parallel>], iteration_bounds = array<i64: 2, 16>, scalar_prefetch = 0 : i64, scratch_operands = 3 : i64, tpu.core_type = #tpu.core_type<sc_vector_subcore>, window_params = [{transform_indices = #map}, {transform_indices = #map}, {transform_indices = #map1}]} {
    %mul3A = arith.constant 2 : i32
    %mul3A_0 = arith.muli %arg1, %mul3A : i32
    %add3A = arith.addi %mul3A_0, %arg0 : i32
    "tpu.region"() ({
      %run_scoped3A = tpu.sem_alloc : memref<!tpu.dma_semaphore, #tpu.memory_space<semaphore_mem>>
      tpu.enqueue_dma source(%arg2 : memref<20480xf32, #tpu.memory_space<hbm>>) target(%arg5 : memref<20480xf32, #tpu.memory_space<vmem>>) target_semaphore(%run_scoped3A : memref<!tpu.dma_semaphore, #tpu.memory_space<semaphore_mem>>)
      tpu.wait_dma2 semaphore(%run_scoped3A : memref<!tpu.dma_semaphore, #tpu.memory_space<semaphore_mem>>) src(%arg2 : memref<20480xf32, #tpu.memory_space<hbm>>) dst(%arg5 : memref<20480xf32, #tpu.memory_space<vmem>>)
      tpu.yield
    }) : () -> ()
    %mul3A_1 = arith.constant 1024 : i32
    %mul3A_2 = arith.muli %add3A, %mul3A_1 : i32
    "tpu.region"() ({
      %run_scoped3A = tpu.sem_alloc : memref<!tpu.dma_semaphore, #tpu.memory_space<semaphore_mem>>
      %dma_start3A = tpu.memref_slice %arg3[%mul3A_2] : memref<32768xi32, #tpu.memory_space<hbm>> -> memref<1024xi32, #tpu.memory_space<hbm>>
      %dma_start3A_8 = tpu.memref_slice %arg3[%mul3A_2] : memref<32768xi32, #tpu.memory_space<hbm>> -> memref<1024xi32, #tpu.memory_space<hbm>>
      tpu.enqueue_dma source(%dma_start3A_8 : memref<1024xi32, #tpu.memory_space<hbm>>) target(%arg6 : memref<1024xi32, #tpu.memory_space<vmem>>) target_semaphore(%run_scoped3A : memref<!tpu.dma_semaphore, #tpu.memory_space<semaphore_mem>>)
      %dma_wait3A = tpu.memref_slice %arg3[%mul3A_2] : memref<32768xi32, #tpu.memory_space<hbm>> -> memref<1024xi32, #tpu.memory_space<hbm>>
      %dma_wait3A_9 = tpu.memref_slice %arg3[%mul3A_2] : memref<32768xi32, #tpu.memory_space<hbm>> -> memref<1024xi32, #tpu.memory_space<hbm>>
      tpu.wait_dma2 semaphore(%run_scoped3A : memref<!tpu.dma_semaphore, #tpu.memory_space<semaphore_mem>>) src(%dma_wait3A_9 : memref<1024xi32, #tpu.memory_space<hbm>>) dst(%arg6 : memref<1024xi32, #tpu.memory_space<vmem>>)
      tpu.yield
    }) : () -> ()
    %scan3A = arith.constant 0 : i32
    %scan3A_3 = arith.constant 0 : i32
    %scan3A_4 = arith.constant 16 : i32
    %scan3A_5 = arith.addi %scan3A_3, %scan3A_4 : i32
    %scan3A_6 = arith.constant 1 : i32
    scf.for %scan3A_8 = %scan3A_3 to %scan3A_5 step %scan3A_6  : i32 {
      %mul3A_9 = arith.constant 64 : i32
      %mul3A_10 = arith.muli %scan3A_8, %mul3A_9 : i32
      %add3A_11 = arith.constant 0 : i32
      %add3A_12 = arith.addi %mul3A_10, %add3A_11 : i32
      %get3A = arith.index_cast %add3A_12 : i32 to index
      %get3A_13 = tpu.vector_load %arg6[%get3A] {strides = array<i32>} : memref<1024xi32, #tpu.memory_space<vmem>>, vector<16xi32>,
      %mul3A_14 = arith.constant 16 : i32
      %mul3A_15 = vector.broadcast %mul3A_14 : i32 to vector<16xi32>
      %mul3A_16 = arith.muli %get3A_13, %mul3A_15 : vector<16xi32>
      %add3A_17 = arith.constant 0 : i32
      %add3A_18 = vector.broadcast %add3A_17 : i32 to vector<16xi32>
      %add3A_19 = arith.addi %mul3A_16, %add3A_18 : vector<16xi32>
      %gather3A = tpu.vector_load_idx %arg5[%add3A_19] : memref<20480xf32, #tpu.memory_space<vmem>>[vector<16xi32>], vector<16xf32>,
      %swap3A = arith.constant 0 : i32
      %swap3A_20 = arith.index_cast %swap3A : i32 to index
      %swap3A_21 = arith.index_cast %add3A_12 : i32 to index
      %swap3A_22 = tpu.vector_load %arg7[%swap3A_20, %swap3A_21] {strides = array<i32>} : memref<9x1024xf32, #tpu.memory_space<vmem>>, vector<16xf32>,
      tpu.vector_store %arg7[%swap3A_20, %swap3A_21], %gather3A {strides = array<i32>} : memref<9x1024xf32, #tpu.memory_space<vmem>>, vector<16xf32>,
      %add3A_23 = arith.constant 1 : i32
      %add3A_24 = vector.broadcast %add3A_23 : i32 to vector<16xi32>
      %add3A_25 = arith.addi %mul3A_16, %add3A_24 : vector<16xi32>
      %gather3A_26 = tpu.vector_load_idx %arg5[%add3A_25] : memref<20480xf32, #tpu.memory_space<vmem>>[vector<16xi32>], vector<16xf32>,
      %swap3A_27 = arith.constant 1 : i32
      %swap3A_28 = arith.index_cast %swap3A_27 : i32 to index
      %swap3A_29 = arith.index_cast %add3A_12 : i32 to index
      %swap3A_30 = tpu.vector_load %arg7[%swap3A_28, %swap3A_29] {strides = array<i32>} : memref<9x1024xf32, #tpu.memory_space<vmem>>, vector<16xf32>,
      tpu.vector_store %arg7[%swap3A_28, %swap3A_29], %gather3A_26 {strides = array<i32>} : memref<9x1024xf32, #tpu.memory_space<vmem>>, vector<16xf32>,
      %add3A_31 = arith.constant 2 : i32
      %add3A_32 = vector.broadcast %add3A_31 : i32 to vector<16xi32>
      %add3A_33 = arith.addi %mul3A_16, %add3A_32 : vector<16xi32>
      %gather3A_34 = tpu.vector_load_idx %arg5[%add3A_33] : memref<20480xf32, #tpu.memory_space<vmem>>[vector<16xi32>], vector<16xf32>,
      %swap3A_35 = arith.constant 2 : i32
      %swap3A_36 = arith.index_cast %swap3A_35 : i32 to index
      %swap3A_37 = arith.index_cast %add3A_12 : i32 to index
      %swap3A_38 = tpu.vector_load %arg7[%swap3A_36, %swap3A_37] {strides = array<i32>} : memref<9x1024xf32, #tpu.memory_space<vmem>>, vector<16xf32>,
      tpu.vector_store %arg7[%swap3A_36, %swap3A_37], %gather3A_34 {strides = array<i32>} : memref<9x1024xf32, #tpu.memory_space<vmem>>, vector<16xf32>,
      %add3A_39 = arith.constant 3 : i32
      %add3A_40 = vector.broadcast %add3A_39 : i32 to vector<16xi32>
      %add3A_41 = arith.addi %mul3A_16, %add3A_40 : vector<16xi32>
      %gather3A_42 = tpu.vector_load_idx %arg5[%add3A_41] : memref<20480xf32, #tpu.memory_space<vmem>>[vector<16xi32>], vector<16xf32>,
      %swap3A_43 = arith.constant 3 : i32
      %swap3A_44 = arith.index_cast %swap3A_43 : i32 to index
      %swap3A_45 = arith.index_cast %add3A_12 : i32 to index
      %swap3A_46 = tpu.vector_load %arg7[%swap3A_44, %swap3A_45] {strides = array<i32>} : memref<9x1024xf32, #tpu.memory_space<vmem>>, vector<16xf32>,
      tpu.vector_store %arg7[%swap3A_44, %swap3A_45], %gather3A_42 {strides = array<i32>} : memref<9x1024xf32, #tpu.memory_space<vmem>>, vector<16xf32>,
      %add3A_47 = arith.constant 4 : i32
      %add3A_48 = vector.broadcast %add3A_47 : i32 to vector<16xi32>
      %add3A_49 = arith.addi %mul3A_16, %add3A_48 : vector<16xi32>
      %gather3A_50 = tpu.vector_load_idx %arg5[%add3A_49] : memref<20480xf32, #tpu.memory_space<vmem>>[vector<16xi32>], vector<16xf32>,
      %swap3A_51 = arith.constant 4 : i32
      %swap3A_52 = arith.index_cast %swap3A_51 : i32 to index
      %swap3A_53 = arith.index_cast %add3A_12 : i32 to index
      %swap3A_54 = tpu.vector_load %arg7[%swap3A_52, %swap3A_53] {strides = array<i32>} : memref<9x1024xf32, #tpu.memory_space<vmem>>, vector<16xf32>,
      tpu.vector_store %arg7[%swap3A_52, %swap3A_53], %gather3A_50 {strides = array<i32>} : memref<9x1024xf32, #tpu.memory_space<vmem>>, vector<16xf32>,
      %add3A_55 = arith.constant 5 : i32
      %add3A_56 = vector.broadcast %add3A_55 : i32 to vector<16xi32>
      %add3A_57 = arith.addi %mul3A_16, %add3A_56 : vector<16xi32>
      %gather3A_58 = tpu.vector_load_idx %arg5[%add3A_57] : memref<20480xf32, #tpu.memory_space<vmem>>[vector<16xi32>], vector<16xf32>,
      %swap3A_59 = arith.constant 5 : i32
      %swap3A_60 = arith.index_cast %swap3A_59 : i32 to index
      %swap3A_61 = arith.index_cast %add3A_12 : i32 to index
      %swap3A_62 = tpu.vector_load %arg7[%swap3A_60, %swap3A_61] {strides = array<i32>} : memref<9x1024xf32, #tpu.memory_space<vmem>>, vector<16xf32>,
      tpu.vector_store %arg7[%swap3A_60, %swap3A_61], %gather3A_58 {strides = array<i32>} : memref<9x1024xf32, #tpu.memory_space<vmem>>, vector<16xf32>,
      %add3A_63 = arith.constant 6 : i32
      %add3A_64 = vector.broadcast %add3A_63 : i32 to vector<16xi32>
      %add3A_65 = arith.addi %mul3A_16, %add3A_64 : vector<16xi32>
      %gather3A_66 = tpu.vector_load_idx %arg5[%add3A_65] : memref<20480xf32, #tpu.memory_space<vmem>>[vector<16xi32>], vector<16xf32>,
      %swap3A_67 = arith.constant 6 : i32
      %swap3A_68 = arith.index_cast %swap3A_67 : i32 to index
      %swap3A_69 = arith.index_cast %add3A_12 : i32 to index
      %swap3A_70 = tpu.vector_load %arg7[%swap3A_68, %swap3A_69] {strides = array<i32>} : memref<9x1024xf32, #tpu.memory_space<vmem>>, vector<16xf32>,
      tpu.vector_store %arg7[%swap3A_68, %swap3A_69], %gather3A_66 {strides = array<i32>} : memref<9x1024xf32, #tpu.memory_space<vmem>>, vector<16xf32>,
      %add3A_71 = arith.constant 7 : i32
      %add3A_72 = vector.broadcast %add3A_71 : i32 to vector<16xi32>
      %add3A_73 = arith.addi %mul3A_16, %add3A_72 : vector<16xi32>
      %gather3A_74 = tpu.vector_load_idx %arg5[%add3A_73] : memref<20480xf32, #tpu.memory_space<vmem>>[vector<16xi32>], vector<16xf32>,
      %swap3A_75 = arith.constant 7 : i32
      %swap3A_76 = arith.index_cast %swap3A_75 : i32 to index
      %swap3A_77 = arith.index_cast %add3A_12 : i32 to index
      %swap3A_78 = tpu.vector_load %arg7[%swap3A_76, %swap3A_77] {strides = array<i32>} : memref<9x1024xf32, #tpu.memory_space<vmem>>, vector<16xf32>,
      tpu.vector_store %arg7[%swap3A_76, %swap3A_77], %gather3A_74 {strides = array<i32>} : memref<9x1024xf32, #tpu.memory_space<vmem>>, vector<16xf32>,
      %add3A_79 = arith.constant 8 : i32
      %add3A_80 = vector.broadcast %add3A_79 : i32 to vector<16xi32>
      %add3A_81 = arith.addi %mul3A_16, %add3A_80 : vector<16xi32>
      %gather3A_82 = tpu.vector_load_idx %arg5[%add3A_81] : memref<20480xf32, #tpu.memory_space<vmem>>[vector<16xi32>], vector<16xf32>,
      %swap3A_83 = arith.constant 8 : i32
      %swap3A_84 = arith.index_cast %swap3A_83 : i32 to index
      %swap3A_85 = arith.index_cast %add3A_12 : i32 to index
      %swap3A_86 = tpu.vector_load %arg7[%swap3A_84, %swap3A_85] {strides = array<i32>} : memref<9x1024xf32, #tpu.memory_space<vmem>>, vector<16xf32>,
      tpu.vector_store %arg7[%swap3A_84, %swap3A_85], %gather3A_82 {strides = array<i32>} : memref<9x1024xf32, #tpu.memory_space<vmem>>, vector<16xf32>,
      %mul3A_87 = arith.constant 64 : i32
      %mul3A_88 = arith.muli %scan3A_8, %mul3A_87 : i32
      %add3A_89 = arith.constant 16 : i32
      %add3A_90 = arith.addi %mul3A_88, %add3A_89 : i32
      %get3A_91 = arith.index_cast %add3A_90 : i32 to index
      %get3A_92 = tpu.vector_load %arg6[%get3A_91] {strides = array<i32>} : memref<1024xi32, #tpu.memory_space<vmem>>, vector<16xi32>,
      %mul3A_93 = arith.constant 16 : i32
      %mul3A_94 = vector.broadcast %mul3A_93 : i32 to vector<16xi32>
      %mul3A_95 = arith.muli %get3A_92, %mul3A_94 : vector<16xi32>
      %add3A_96 = arith.constant 0 : i32
      %add3A_97 = vector.broadcast %add3A_96 : i32 to vector<16xi32>
      %add3A_98 = arith.addi %mul3A_95, %add3A_97 : vector<16xi32>
      %gather3A_99 = tpu.vector_load_idx %arg5[%add3A_98] : memref<20480xf32, #tpu.memory_space<vmem>>[vector<16xi32>], vector<16xf32>,
      %swap3A_100 = arith.constant 0 : i32
      %swap3A_101 = arith.index_cast %swap3A_100 : i32 to index
      %swap3A_102 = arith.index_cast %add3A_90 : i32 to index
      %swap3A_103 = tpu.vector_load %arg7[%swap3A_101, %swap3A_102] {strides = array<i32>} : memref<9x1024xf32, #tpu.memory_space<vmem>>, vector<16xf32>,
      tpu.vector_store %arg7[%swap3A_101, %swap3A_102], %gather3A_99 {strides = array<i32>} : memref<9x1024xf32, #tpu.memory_space<vmem>>, vector<16xf32>,
      %add3A_104 = arith.constant 1 : i32
      %add3A_105 = vector.broadcast %add3A_104 : i32 to vector<16xi32>
      %add3A_106 = arith.addi %mul3A_95, %add3A_105 : vector<16xi32>
      %gather3A_107 = tpu.vector_load_idx %arg5[%add3A_106] : memref<20480xf32, #tpu.memory_space<vmem>>[vector<16xi32>], vector<16xf32>,
      %swap3A_108 = arith.constant 1 : i32
      %swap3A_109 = arith.index_cast %swap3A_108 : i32 to index
      %swap3A_110 = arith.index_cast %add3A_90 : i32 to index
      %swap3A_111 = tpu.vector_load %arg7[%swap3A_109, %swap3A_110] {strides = array<i32>} : memref<9x1024xf32, #tpu.memory_space<vmem>>, vector<16xf32>,
      tpu.vector_store %arg7[%swap3A_109, %swap3A_110], %gather3A_107 {strides = array<i32>} : memref<9x1024xf32, #tpu.memory_space<vmem>>, vector<16xf32>,
      %add3A_112 = arith.constant 2 : i32
      %add3A_113 = vector.broadcast %add3A_112 : i32 to vector<16xi32>
      %add3A_114 = arith.addi %mul3A_95, %add3A_113 : vector<16xi32>
      %gather3A_115 = tpu.vector_load_idx %arg5[%add3A_114] : memref<20480xf32, #tpu.memory_space<vmem>>[vector<16xi32>], vector<16xf32>,
      %swap3A_116 = arith.constant 2 : i32
      %swap3A_117 = arith.index_cast %swap3A_116 : i32 to index
      %swap3A_118 = arith.index_cast %add3A_90 : i32 to index
      %swap3A_119 = tpu.vector_load %arg7[%swap3A_117, %swap3A_118] {strides = array<i32>} : memref<9x1024xf32, #tpu.memory_space<vmem>>, vector<16xf32>,
      tpu.vector_store %arg7[%swap3A_117, %swap3A_118], %gather3A_115 {strides = array<i32>} : memref<9x1024xf32, #tpu.memory_space<vmem>>, vector<16xf32>,
      %add3A_120 = arith.constant 3 : i32
      %add3A_121 = vector.broadcast %add3A_120 : i32 to vector<16xi32>
      %add3A_122 = arith.addi %mul3A_95, %add3A_121 : vector<16xi32>
      %gather3A_123 = tpu.vector_load_idx %arg5[%add3A_122] : memref<20480xf32, #tpu.memory_space<vmem>>[vector<16xi32>], vector<16xf32>,
      %swap3A_124 = arith.constant 3 : i32
      %swap3A_125 = arith.index_cast %swap3A_124 : i32 to index
      %swap3A_126 = arith.index_cast %add3A_90 : i32 to index
      %swap3A_127 = tpu.vector_load %arg7[%swap3A_125, %swap3A_126] {strides = array<i32>} : memref<9x1024xf32, #tpu.memory_space<vmem>>, vector<16xf32>,
      tpu.vector_store %arg7[%swap3A_125, %swap3A_126], %gather3A_123 {strides = array<i32>} : memref<9x1024xf32, #tpu.memory_space<vmem>>, vector<16xf32>,
      %add3A_128 = arith.constant 4 : i32
      %add3A_129 = vector.broadcast %add3A_128 : i32 to vector<16xi32>
      %add3A_130 = arith.addi %mul3A_95, %add3A_129 : vector<16xi32>
      %gather3A_131 = tpu.vector_load_idx %arg5[%add3A_130] : memref<20480xf32, #tpu.memory_space<vmem>>[vector<16xi32>], vector<16xf32>,
      %swap3A_132 = arith.constant 4 : i32
      %swap3A_133 = arith.index_cast %swap3A_132 : i32 to index
      %swap3A_134 = arith.index_cast %add3A_90 : i32 to index
      %swap3A_135 = tpu.vector_load %arg7[%swap3A_133, %swap3A_134] {strides = array<i32>} : memref<9x1024xf32, #tpu.memory_space<vmem>>, vector<16xf32>,
      tpu.vector_store %arg7[%swap3A_133, %swap3A_134], %gather3A_131 {strides = array<i32>} : memref<9x1024xf32, #tpu.memory_space<vmem>>, vector<16xf32>,
      %add3A_136 = arith.constant 5 : i32
      %add3A_137 = vector.broadcast %add3A_136 : i32 to vector<16xi32>
      %add3A_138 = arith.addi %mul3A_95, %add3A_137 : vector<16xi32>
      %gather3A_139 = tpu.vector_load_idx %arg5[%add3A_138] : memref<20480xf32, #tpu.memory_space<vmem>>[vector<16xi32>], vector<16xf32>,
      %swap3A_140 = arith.constant 5 : i32
      %swap3A_141 = arith.index_cast %swap3A_140 : i32 to index
      %swap3A_142 = arith.index_cast %add3A_90 : i32 to index
      %swap3A_143 = tpu.vector_load %arg7[%swap3A_141, %swap3A_142] {strides = array<i32>} : memref<9x1024xf32, #tpu.memory_space<vmem>>, vector<16xf32>,
      tpu.vector_store %arg7[%swap3A_141, %swap3A_142], %gather3A_139 {strides = array<i32>} : memref<9x1024xf32, #tpu.memory_space<vmem>>, vector<16xf32>,
      %add3A_144 = arith.constant 6 : i32
      %add3A_145 = vector.broadcast %add3A_144 : i32 to vector<16xi32>
      %add3A_146 = arith.addi %mul3A_95, %add3A_145 : vector<16xi32>
      %gather3A_147 = tpu.vector_load_idx %arg5[%add3A_146] : memref<20480xf32, #tpu.memory_space<vmem>>[vector<16xi32>], vector<16xf32>,
      %swap3A_148 = arith.constant 6 : i32
      %swap3A_149 = arith.index_cast %swap3A_148 : i32 to index
      %swap3A_150 = arith.index_cast %add3A_90 : i32 to index
      %swap3A_151 = tpu.vector_load %arg7[%swap3A_149, %swap3A_150] {strides = array<i32>} : memref<9x1024xf32, #tpu.memory_space<vmem>>, vector<16xf32>,
      tpu.vector_store %arg7[%swap3A_149, %swap3A_150], %gather3A_147 {strides = array<i32>} : memref<9x1024xf32, #tpu.memory_space<vmem>>, vector<16xf32>,
      %add3A_152 = arith.constant 7 : i32
      %add3A_153 = vector.broadcast %add3A_152 : i32 to vector<16xi32>
      %add3A_154 = arith.addi %mul3A_95, %add3A_153 : vector<16xi32>
      %gather3A_155 = tpu.vector_load_idx %arg5[%add3A_154] : memref<20480xf32, #tpu.memory_space<vmem>>[vector<16xi32>], vector<16xf32>,
      %swap3A_156 = arith.constant 7 : i32
      %swap3A_157 = arith.index_cast %swap3A_156 : i32 to index
      %swap3A_158 = arith.index_cast %add3A_90 : i32 to index
      %swap3A_159 = tpu.vector_load %arg7[%swap3A_157, %swap3A_158] {strides = array<i32>} : memref<9x1024xf32, #tpu.memory_space<vmem>>, vector<16xf32>,
      tpu.vector_store %arg7[%swap3A_157, %swap3A_158], %gather3A_155 {strides = array<i32>} : memref<9x1024xf32, #tpu.memory_space<vmem>>, vector<16xf32>,
      %add3A_160 = arith.constant 8 : i32
      %add3A_161 = vector.broadcast %add3A_160 : i32 to vector<16xi32>
      %add3A_162 = arith.addi %mul3A_95, %add3A_161 : vector<16xi32>
      %gather3A_163 = tpu.vector_load_idx %arg5[%add3A_162] : memref<20480xf32, #tpu.memory_space<vmem>>[vector<16xi32>], vector<16xf32>,
      %swap3A_164 = arith.constant 8 : i32
      %swap3A_165 = arith.index_cast %swap3A_164 : i32 to index
      %swap3A_166 = arith.index_cast %add3A_90 : i32 to index
      %swap3A_167 = tpu.vector_load %arg7[%swap3A_165, %swap3A_166] {strides = array<i32>} : memref<9x1024xf32, #tpu.memory_space<vmem>>, vector<16xf32>,
      tpu.vector_store %arg7[%swap3A_165, %swap3A_166], %gather3A_163 {strides = array<i32>} : memref<9x1024xf32, #tpu.memory_space<vmem>>, vector<16xf32>,
      %mul3A_168 = arith.constant 64 : i32
      %mul3A_169 = arith.muli %scan3A_8, %mul3A_168 : i32
      %add3A_170 = arith.constant 32 : i32
      %add3A_171 = arith.addi %mul3A_169, %add3A_170 : i32
      %get3A_172 = arith.index_cast %add3A_171 : i32 to index
      %get3A_173 = tpu.vector_load %arg6[%get3A_172] {strides = array<i32>} : memref<1024xi32, #tpu.memory_space<vmem>>, vector<16xi32>,
      %mul3A_174 = arith.constant 16 : i32
      %mul3A_175 = vector.broadcast %mul3A_174 : i32 to vector<16xi32>
      %mul3A_176 = arith.muli %get3A_173, %mul3A_175 : vector<16xi32>
      %add3A_177 = arith.constant 0 : i32
      %add3A_178 = vector.broadcast %add3A_177 : i32 to vector<16xi32>
      %add3A_179 = arith.addi %mul3A_176, %add3A_178 : vector<16xi32>
      %gather3A_180 = tpu.vector_load_idx %arg5[%add3A_179] : memref<20480xf32, #tpu.memory_space<vmem>>[vector<16xi32>], vector<16xf32>,
      %swap3A_181 = arith.constant 0 : i32
      %swap3A_182 = arith.index_cast %swap3A_181 : i32 to index
      %swap3A_183 = arith.index_cast %add3A_171 : i32 to index
      %swap3A_184 = tpu.vector_load %arg7[%swap3A_182, %swap3A_183] {strides = array<i32>} : memref<9x1024xf32, #tpu.memory_space<vmem>>, vector<16xf32>,
      tpu.vector_store %arg7[%swap3A_182, %swap3A_183], %gather3A_180 {strides = array<i32>} : memref<9x1024xf32, #tpu.memory_space<vmem>>, vector<16xf32>,
      %add3A_185 = arith.constant 1 : i32
      %add3A_186 = vector.broadcast %add3A_185 : i32 to vector<16xi32>
      %add3A_187 = arith.addi %mul3A_176, %add3A_186 : vector<16xi32>
      %gather3A_188 = tpu.vector_load_idx %arg5[%add3A_187] : memref<20480xf32, #tpu.memory_space<vmem>>[vector<16xi32>], vector<16xf32>,
      %swap3A_189 = arith.constant 1 : i32
      %swap3A_190 = arith.index_cast %swap3A_189 : i32 to index
      %swap3A_191 = arith.index_cast %add3A_171 : i32 to index
      %swap3A_192 = tpu.vector_load %arg7[%swap3A_190, %swap3A_191] {strides = array<i32>} : memref<9x1024xf32, #tpu.memory_space<vmem>>, vector<16xf32>,
      tpu.vector_store %arg7[%swap3A_190, %swap3A_191], %gather3A_188 {strides = array<i32>} : memref<9x1024xf32, #tpu.memory_space<vmem>>, vector<16xf32>,
      %add3A_193 = arith.constant 2 : i32
      %add3A_194 = vector.broadcast %add3A_193 : i32 to vector<16xi32>
      %add3A_195 = arith.addi %mul3A_176, %add3A_194 : vector<16xi32>
      %gather3A_196 = tpu.vector_load_idx %arg5[%add3A_195] : memref<20480xf32, #tpu.memory_space<vmem>>[vector<16xi32>], vector<16xf32>,
      %swap3A_197 = arith.constant 2 : i32
      %swap3A_198 = arith.index_cast %swap3A_197 : i32 to index
      %swap3A_199 = arith.index_cast %add3A_171 : i32 to index
      %swap3A_200 = tpu.vector_load %arg7[%swap3A_198, %swap3A_199] {strides = array<i32>} : memref<9x1024xf32, #tpu.memory_space<vmem>>, vector<16xf32>,
      tpu.vector_store %arg7[%swap3A_198, %swap3A_199], %gather3A_196 {strides = array<i32>} : memref<9x1024xf32, #tpu.memory_space<vmem>>, vector<16xf32>,
      %add3A_201 = arith.constant 3 : i32
      %add3A_202 = vector.broadcast %add3A_201 : i32 to vector<16xi32>
      %add3A_203 = arith.addi %mul3A_176, %add3A_202 : vector<16xi32>
      %gather3A_204 = tpu.vector_load_idx %arg5[%add3A_203] : memref<20480xf32, #tpu.memory_space<vmem>>[vector<16xi32>], vector<16xf32>,
      %swap3A_205 = arith.constant 3 : i32
      %swap3A_206 = arith.index_cast %swap3A_205 : i32 to index
      %swap3A_207 = arith.index_cast %add3A_171 : i32 to index
      %swap3A_208 = tpu.vector_load %arg7[%swap3A_206, %swap3A_207] {strides = array<i32>} : memref<9x1024xf32, #tpu.memory_space<vmem>>, vector<16xf32>,
      tpu.vector_store %arg7[%swap3A_206, %swap3A_207], %gather3A_204 {strides = array<i32>} : memref<9x1024xf32, #tpu.memory_space<vmem>>, vector<16xf32>,
      %add3A_209 = arith.constant 4 : i32
      %add3A_210 = vector.broadcast %add3A_209 : i32 to vector<16xi32>
      %add3A_211 = arith.addi %mul3A_176, %add3A_210 : vector<16xi32>
      %gather3A_212 = tpu.vector_load_idx %arg5[%add3A_211] : memref<20480xf32, #tpu.memory_space<vmem>>[vector<16xi32>], vector<16xf32>,
      %swap3A_213 = arith.constant 4 : i32
      %swap3A_214 = arith.index_cast %swap3A_213 : i32 to index
      %swap3A_215 = arith.index_cast %add3A_171 : i32 to index
      %swap3A_216 = tpu.vector_load %arg7[%swap3A_214, %swap3A_215] {strides = array<i32>} : memref<9x1024xf32, #tpu.memory_space<vmem>>, vector<16xf32>,
      tpu.vector_store %arg7[%swap3A_214, %swap3A_215], %gather3A_212 {strides = array<i32>} : memref<9x1024xf32, #tpu.memory_space<vmem>>, vector<16xf32>,
      %add3A_217 = arith.constant 5 : i32
      %add3A_218 = vector.broadcast %add3A_217 : i32 to vector<16xi32>
      %add3A_219 = arith.addi %mul3A_176, %add3A_218 : vector<16xi32>
      %gather3A_220 = tpu.vector_load_idx %arg5[%add3A_219] : memref<20480xf32, #tpu.memory_space<vmem>>[vector<16xi32>], vector<16xf32>,
      %swap3A_221 = arith.constant 5 : i32
      %swap3A_222 = arith.index_cast %swap3A_221 : i32 to index
      %swap3A_223 = arith.index_cast %add3A_171 : i32 to index
      %swap3A_224 = tpu.vector_load %arg7[%swap3A_222, %swap3A_223] {strides = array<i32>} : memref<9x1024xf32, #tpu.memory_space<vmem>>, vector<16xf32>,
      tpu.vector_store %arg7[%swap3A_222, %swap3A_223], %gather3A_220 {strides = array<i32>} : memref<9x1024xf32, #tpu.memory_space<vmem>>, vector<16xf32>,
      %add3A_225 = arith.constant 6 : i32
      %add3A_226 = vector.broadcast %add3A_225 : i32 to vector<16xi32>
      %add3A_227 = arith.addi %mul3A_176, %add3A_226 : vector<16xi32>
      %gather3A_228 = tpu.vector_load_idx %arg5[%add3A_227] : memref<20480xf32, #tpu.memory_space<vmem>>[vector<16xi32>], vector<16xf32>,
      %swap3A_229 = arith.constant 6 : i32
      %swap3A_230 = arith.index_cast %swap3A_229 : i32 to index
      %swap3A_231 = arith.index_cast %add3A_171 : i32 to index
      %swap3A_232 = tpu.vector_load %arg7[%swap3A_230, %swap3A_231] {strides = array<i32>} : memref<9x1024xf32, #tpu.memory_space<vmem>>, vector<16xf32>,
      tpu.vector_store %arg7[%swap3A_230, %swap3A_231], %gather3A_228 {strides = array<i32>} : memref<9x1024xf32, #tpu.memory_space<vmem>>, vector<16xf32>,
      %add3A_233 = arith.constant 7 : i32
      %add3A_234 = vector.broadcast %add3A_233 : i32 to vector<16xi32>
      %add3A_235 = arith.addi %mul3A_176, %add3A_234 : vector<16xi32>
      %gather3A_236 = tpu.vector_load_idx %arg5[%add3A_235] : memref<20480xf32, #tpu.memory_space<vmem>>[vector<16xi32>], vector<16xf32>,
      %swap3A_237 = arith.constant 7 : i32
      %swap3A_238 = arith.index_cast %swap3A_237 : i32 to index
      %swap3A_239 = arith.index_cast %add3A_171 : i32 to index
      %swap3A_240 = tpu.vector_load %arg7[%swap3A_238, %swap3A_239] {strides = array<i32>} : memref<9x1024xf32, #tpu.memory_space<vmem>>, vector<16xf32>,
      tpu.vector_store %arg7[%swap3A_238, %swap3A_239], %gather3A_236 {strides = array<i32>} : memref<9x1024xf32, #tpu.memory_space<vmem>>, vector<16xf32>,
      %add3A_241 = arith.constant 8 : i32
      %add3A_242 = vector.broadcast %add3A_241 : i32 to vector<16xi32>
      %add3A_243 = arith.addi %mul3A_176, %add3A_242 : vector<16xi32>
      %gather3A_244 = tpu.vector_load_idx %arg5[%add3A_243] : memref<20480xf32, #tpu.memory_space<vmem>>[vector<16xi32>], vector<16xf32>,
      %swap3A_245 = arith.constant 8 : i32
      %swap3A_246 = arith.index_cast %swap3A_245 : i32 to index
      %swap3A_247 = arith.index_cast %add3A_171 : i32 to index
      %swap3A_248 = tpu.vector_load %arg7[%swap3A_246, %swap3A_247] {strides = array<i32>} : memref<9x1024xf32, #tpu.memory_space<vmem>>, vector<16xf32>,
      tpu.vector_store %arg7[%swap3A_246, %swap3A_247], %gather3A_244 {strides = array<i32>} : memref<9x1024xf32, #tpu.memory_space<vmem>>, vector<16xf32>,
      %mul3A_249 = arith.constant 64 : i32
      %mul3A_250 = arith.muli %scan3A_8, %mul3A_249 : i32
      %add3A_251 = arith.constant 48 : i32
      %add3A_252 = arith.addi %mul3A_250, %add3A_251 : i32
      %get3A_253 = arith.index_cast %add3A_252 : i32 to index
      %get3A_254 = tpu.vector_load %arg6[%get3A_253] {strides = array<i32>} : memref<1024xi32, #tpu.memory_space<vmem>>, vector<16xi32>,
      %mul3A_255 = arith.constant 16 : i32
      %mul3A_256 = vector.broadcast %mul3A_255 : i32 to vector<16xi32>
      %mul3A_257 = arith.muli %get3A_254, %mul3A_256 : vector<16xi32>
      %add3A_258 = arith.constant 0 : i32
      %add3A_259 = vector.broadcast %add3A_258 : i32 to vector<16xi32>
      %add3A_260 = arith.addi %mul3A_257, %add3A_259 : vector<16xi32>
      %gather3A_261 = tpu.vector_load_idx %arg5[%add3A_260] : memref<20480xf32, #tpu.memory_space<vmem>>[vector<16xi32>], vector<16xf32>,
      %swap3A_262 = arith.constant 0 : i32
      %swap3A_263 = arith.index_cast %swap3A_262 : i32 to index
      %swap3A_264 = arith.index_cast %add3A_252 : i32 to index
      %swap3A_265 = tpu.vector_load %arg7[%swap3A_263, %swap3A_264] {strides = array<i32>} : memref<9x1024xf32, #tpu.memory_space<vmem>>, vector<16xf32>,
      tpu.vector_store %arg7[%swap3A_263, %swap3A_264], %gather3A_261 {strides = array<i32>} : memref<9x1024xf32, #tpu.memory_space<vmem>>, vector<16xf32>,
      %add3A_266 = arith.constant 1 : i32
      %add3A_267 = vector.broadcast %add3A_266 : i32 to vector<16xi32>
      %add3A_268 = arith.addi %mul3A_257, %add3A_267 : vector<16xi32>
      %gather3A_269 = tpu.vector_load_idx %arg5[%add3A_268] : memref<20480xf32, #tpu.memory_space<vmem>>[vector<16xi32>], vector<16xf32>,
      %swap3A_270 = arith.constant 1 : i32
      %swap3A_271 = arith.index_cast %swap3A_270 : i32 to index
      %swap3A_272 = arith.index_cast %add3A_252 : i32 to index
      %swap3A_273 = tpu.vector_load %arg7[%swap3A_271, %swap3A_272] {strides = array<i32>} : memref<9x1024xf32, #tpu.memory_space<vmem>>, vector<16xf32>,
      tpu.vector_store %arg7[%swap3A_271, %swap3A_272], %gather3A_269 {strides = array<i32>} : memref<9x1024xf32, #tpu.memory_space<vmem>>, vector<16xf32>,
      %add3A_274 = arith.constant 2 : i32
      %add3A_275 = vector.broadcast %add3A_274 : i32 to vector<16xi32>
      %add3A_276 = arith.addi %mul3A_257, %add3A_275 : vector<16xi32>
      %gather3A_277 = tpu.vector_load_idx %arg5[%add3A_276] : memref<20480xf32, #tpu.memory_space<vmem>>[vector<16xi32>], vector<16xf32>,
      %swap3A_278 = arith.constant 2 : i32
      %swap3A_279 = arith.index_cast %swap3A_278 : i32 to index
      %swap3A_280 = arith.index_cast %add3A_252 : i32 to index
      %swap3A_281 = tpu.vector_load %arg7[%swap3A_279, %swap3A_280] {strides = array<i32>} : memref<9x1024xf32, #tpu.memory_space<vmem>>, vector<16xf32>,
      tpu.vector_store %arg7[%swap3A_279, %swap3A_280], %gather3A_277 {strides = array<i32>} : memref<9x1024xf32, #tpu.memory_space<vmem>>, vector<16xf32>,
      %add3A_282 = arith.constant 3 : i32
      %add3A_283 = vector.broadcast %add3A_282 : i32 to vector<16xi32>
      %add3A_284 = arith.addi %mul3A_257, %add3A_283 : vector<16xi32>
      %gather3A_285 = tpu.vector_load_idx %arg5[%add3A_284] : memref<20480xf32, #tpu.memory_space<vmem>>[vector<16xi32>], vector<16xf32>,
      %swap3A_286 = arith.constant 3 : i32
      %swap3A_287 = arith.index_cast %swap3A_286 : i32 to index
      %swap3A_288 = arith.index_cast %add3A_252 : i32 to index
      %swap3A_289 = tpu.vector_load %arg7[%swap3A_287, %swap3A_288] {strides = array<i32>} : memref<9x1024xf32, #tpu.memory_space<vmem>>, vector<16xf32>,
      tpu.vector_store %arg7[%swap3A_287, %swap3A_288], %gather3A_285 {strides = array<i32>} : memref<9x1024xf32, #tpu.memory_space<vmem>>, vector<16xf32>,
      %add3A_290 = arith.constant 4 : i32
      %add3A_291 = vector.broadcast %add3A_290 : i32 to vector<16xi32>
      %add3A_292 = arith.addi %mul3A_257, %add3A_291 : vector<16xi32>
      %gather3A_293 = tpu.vector_load_idx %arg5[%add3A_292] : memref<20480xf32, #tpu.memory_space<vmem>>[vector<16xi32>], vector<16xf32>,
      %swap3A_294 = arith.constant 4 : i32
      %swap3A_295 = arith.index_cast %swap3A_294 : i32 to index
      %swap3A_296 = arith.index_cast %add3A_252 : i32 to index
      %swap3A_297 = tpu.vector_load %arg7[%swap3A_295, %swap3A_296] {strides = array<i32>} : memref<9x1024xf32, #tpu.memory_space<vmem>>, vector<16xf32>,
      tpu.vector_store %arg7[%swap3A_295, %swap3A_296], %gather3A_293 {strides = array<i32>} : memref<9x1024xf32, #tpu.memory_space<vmem>>, vector<16xf32>,
      %add3A_298 = arith.constant 5 : i32
      %add3A_299 = vector.broadcast %add3A_298 : i32 to vector<16xi32>
      %add3A_300 = arith.addi %mul3A_257, %add3A_299 : vector<16xi32>
      %gather3A_301 = tpu.vector_load_idx %arg5[%add3A_300] : memref<20480xf32, #tpu.memory_space<vmem>>[vector<16xi32>], vector<16xf32>,
      %swap3A_302 = arith.constant 5 : i32
      %swap3A_303 = arith.index_cast %swap3A_302 : i32 to index
      %swap3A_304 = arith.index_cast %add3A_252 : i32 to index
      %swap3A_305 = tpu.vector_load %arg7[%swap3A_303, %swap3A_304] {strides = array<i32>} : memref<9x1024xf32, #tpu.memory_space<vmem>>, vector<16xf32>,
      tpu.vector_store %arg7[%swap3A_303, %swap3A_304], %gather3A_301 {strides = array<i32>} : memref<9x1024xf32, #tpu.memory_space<vmem>>, vector<16xf32>,
      %add3A_306 = arith.constant 6 : i32
      %add3A_307 = vector.broadcast %add3A_306 : i32 to vector<16xi32>
      %add3A_308 = arith.addi %mul3A_257, %add3A_307 : vector<16xi32>
      %gather3A_309 = tpu.vector_load_idx %arg5[%add3A_308] : memref<20480xf32, #tpu.memory_space<vmem>>[vector<16xi32>], vector<16xf32>,
      %swap3A_310 = arith.constant 6 : i32
      %swap3A_311 = arith.index_cast %swap3A_310 : i32 to index
      %swap3A_312 = arith.index_cast %add3A_252 : i32 to index
      %swap3A_313 = tpu.vector_load %arg7[%swap3A_311, %swap3A_312] {strides = array<i32>} : memref<9x1024xf32, #tpu.memory_space<vmem>>, vector<16xf32>,
      tpu.vector_store %arg7[%swap3A_311, %swap3A_312], %gather3A_309 {strides = array<i32>} : memref<9x1024xf32, #tpu.memory_space<vmem>>, vector<16xf32>,
      %add3A_314 = arith.constant 7 : i32
      %add3A_315 = vector.broadcast %add3A_314 : i32 to vector<16xi32>
      %add3A_316 = arith.addi %mul3A_257, %add3A_315 : vector<16xi32>
      %gather3A_317 = tpu.vector_load_idx %arg5[%add3A_316] : memref<20480xf32, #tpu.memory_space<vmem>>[vector<16xi32>], vector<16xf32>,
      %swap3A_318 = arith.constant 7 : i32
      %swap3A_319 = arith.index_cast %swap3A_318 : i32 to index
      %swap3A_320 = arith.index_cast %add3A_252 : i32 to index
      %swap3A_321 = tpu.vector_load %arg7[%swap3A_319, %swap3A_320] {strides = array<i32>} : memref<9x1024xf32, #tpu.memory_space<vmem>>, vector<16xf32>,
      tpu.vector_store %arg7[%swap3A_319, %swap3A_320], %gather3A_317 {strides = array<i32>} : memref<9x1024xf32, #tpu.memory_space<vmem>>, vector<16xf32>,
      %add3A_322 = arith.constant 8 : i32
      %add3A_323 = vector.broadcast %add3A_322 : i32 to vector<16xi32>
      %add3A_324 = arith.addi %mul3A_257, %add3A_323 : vector<16xi32>
      %gather3A_325 = tpu.vector_load_idx %arg5[%add3A_324] : memref<20480xf32, #tpu.memory_space<vmem>>[vector<16xi32>], vector<16xf32>,
      %swap3A_326 = arith.constant 8 : i32
      %swap3A_327 = arith.index_cast %swap3A_326 : i32 to index
      %swap3A_328 = arith.index_cast %add3A_252 : i32 to index
      %swap3A_329 = tpu.vector_load %arg7[%swap3A_327, %swap3A_328] {strides = array<i32>} : memref<9x1024xf32, #tpu.memory_space<vmem>>, vector<16xf32>,
      tpu.vector_store %arg7[%swap3A_327, %swap3A_328], %gather3A_325 {strides = array<i32>} : memref<9x1024xf32, #tpu.memory_space<vmem>>, vector<16xf32>,
    }
    %scan3A_7 = arith.constant 16 : i32
    "tpu.region"() ({
      %run_scoped3A = tpu.sem_alloc : memref<!tpu.dma_semaphore, #tpu.memory_space<semaphore_mem>>
      %dma_start3A = arith.constant 0 : i32
      %dma_start3A_8 = arith.constant 0 : i32
      %dma_start3A_9 = tpu.memref_slice %arg4[%add3A, %dma_start3A, %dma_start3A_8] : memref<32x9x1024xf32, #tpu.memory_space<hbm>> -> memref<1x9x1024xf32, #tpu.memory_space<hbm>>
      %dma_start3A_10 = tpu.memref_squeeze %dma_start3A_9 : memref<1x9x1024xf32, #tpu.memory_space<hbm>> -> memref<9x1024xf32, #tpu.memory_space<hbm>>
      %dma_start3A_11 = arith.constant 0 : i32
      %dma_start3A_12 = arith.constant 0 : i32
      %dma_start3A_13 = tpu.memref_slice %arg4[%add3A, %dma_start3A_11, %dma_start3A_12] : memref<32x9x1024xf32, #tpu.memory_space<hbm>> -> memref<1x9x1024xf32, #tpu.memory_space<hbm>>
      %dma_start3A_14 = tpu.memref_squeeze %dma_start3A_13 : memref<1x9x1024xf32, #tpu.memory_space<hbm>> -> memref<9x1024xf32, #tpu.memory_space<hbm>>
      tpu.enqueue_dma source(%arg7 : memref<9x1024xf32, #tpu.memory_space<vmem>>) target(%dma_start3A_14 : memref<9x1024xf32, #tpu.memory_space<hbm>>) target_semaphore(%run_scoped3A : memref<!tpu.dma_semaphore, #tpu.memory_space<semaphore_mem>>)
      %dma_wait3A = arith.constant 0 : i32
      %dma_wait3A_15 = arith.constant 0 : i32
      %dma_wait3A_16 = tpu.memref_slice %arg4[%add3A, %dma_wait3A, %dma_wait3A_15] : memref<32x9x1024xf32, #tpu.memory_space<hbm>> -> memref<1x9x1024xf32, #tpu.memory_space<hbm>>
      %dma_wait3A_17 = tpu.memref_squeeze %dma_wait3A_16 : memref<1x9x1024xf32, #tpu.memory_space<hbm>> -> memref<9x1024xf32, #tpu.memory_space<hbm>>
      %dma_wait3A_18 = arith.constant 0 : i32
      %dma_wait3A_19 = arith.constant 0 : i32
      %dma_wait3A_20 = tpu.memref_slice %arg4[%add3A, %dma_wait3A_18, %dma_wait3A_19] : memref<32x9x1024xf32, #tpu.memory_space<hbm>> -> memref<1x9x1024xf32, #tpu.memory_space<hbm>>
      %dma_wait3A_21 = tpu.memref_squeeze %dma_wait3A_20 : memref<1x9x1024xf32, #tpu.memory_space<hbm>> -> memref<9x1024xf32, #tpu.memory_space<hbm>>
      tpu.wait_dma2 semaphore(%run_scoped3A : memref<!tpu.dma_semaphore, #tpu.memory_space<semaphore_mem>>) src(%arg7 : memref<9x1024xf32, #tpu.memory_space<vmem>>) dst(%dma_wait3A_21 : memref<9x1024xf32, #tpu.memory_space<hbm>>)
      tpu.yield
    }) : () -> ()
    return
  }
}

module attributes {stable_mosaic.version = 14 : i64} {
  func.func @_tc_table_body(%arg0: memref<3x3xf32, #tpu.memory_space<smem>>, %arg1: memref<5x5xf32, #tpu.memory_space<smem>>, %arg2: memref<7x7xf32, #tpu.memory_space<smem>>, %arg3: memref<1xf32, #tpu.memory_space<smem>>, %arg4: memref<1xf32, #tpu.memory_space<smem>>, %arg5: memref<1xf32, #tpu.memory_space<smem>>, %arg6: memref<5x256x625xf32, #tpu.memory_space<vmem>>, %arg7: memref<16x256xf32, #tpu.memory_space<vmem>>, %arg8: memref<1x16xf32, #tpu.memory_space<vmem>>, %arg9: memref<256x16xf32, #tpu.memory_space<vmem>>, %arg10: memref<1x256xf32, #tpu.memory_space<vmem>>, %arg11: memref<5x256x16xf32, #tpu.memory_space<vmem>>) attributes {dimension_semantics = [], scalar_prefetch = 0 : i64, scratch_operands = 0 : i64, tpu.core_type = #tpu.core_type<tc>} {
    %get3A = arith.constant 0 : index
    %get3A_0 = arith.constant 0 : index
    %get3A_1 = arith.constant 0 : index
    %get3A_2 = vector.load %arg6[%get3A, %get3A_0, %get3A_1] : memref<5x256x625xf32, #tpu.memory_space<vmem>>, vector<5x256x625xf32>
    %reduce_sum3A = arith.constant dense<0.000000e+00> : vector<5x256xf32>
    %reduce_sum3A_3 = vector.multi_reduction <add>, %get3A_2, %reduce_sum3A [2] : vector<5x256x625xf32> to vector<5x256xf32>
    %mul3A = arith.constant 1.600000e-03 : f32
    %mul3A_4 = vector.broadcast %mul3A : f32 to vector<5x256xf32>
    %mul3A_5 = arith.mulf %reduce_sum3A_3, %mul3A_4 : vector<5x256xf32>
    %broadcast_in_dim3A = arith.constant 0.000000e+00 : f32
    %broadcast_in_dim3A_6 = vector.broadcast %broadcast_in_dim3A : f32 to vector<5x3xf32>
    %concatenate3A = tpu.concatenate %broadcast_in_dim3A_6, %mul3A_5, %broadcast_in_dim3A_6 in 1 : vector<5x3xf32>, vector<5x256xf32>, vector<5x3xf32> -> vector<5x262xf32>
    %get3A_7 = arith.constant 0 : index
    %get3A_8 = memref.load %arg3[%get3A_7] : memref<1xf32, #tpu.memory_space<smem>>
    %get3A_9 = arith.constant 0 : index
    %get3A_10 = memref.load %arg4[%get3A_9] : memref<1xf32, #tpu.memory_space<smem>>
    %add3A = arith.addf %get3A_8, %get3A_10 : f32
    %get3A_11 = arith.constant 0 : index
    %get3A_12 = memref.load %arg5[%get3A_11] : memref<1xf32, #tpu.memory_space<smem>>
    %add3A_13 = arith.addf %add3A, %get3A_12 : f32
    %add3A_14 = vector.broadcast %add3A_13 : f32 to vector<5x256xf32>
    %add3A_15 = arith.addf %mul3A_5, %add3A_14 : vector<5x256xf32>
    %get3A_16 = arith.constant 3 : index
    %get3A_17 = arith.constant 0 : index
    %get3A_18 = memref.load %arg2[%get3A_16, %get3A_17] : memref<7x7xf32, #tpu.memory_space<smem>>
    %slice3A = vector.extract_strided_slice %concatenate3A {offsets = [0, 0], sizes = [5, 256], strides = [1, 1]} : vector<5x262xf32> to vector<5x256xf32>
    %mul3A_19 = vector.broadcast %get3A_18 : f32 to vector<5x256xf32>
    %mul3A_20 = arith.mulf %mul3A_19, %slice3A : vector<5x256xf32>
    %add3A_21 = arith.addf %add3A_15, %mul3A_20 : vector<5x256xf32>
    %get3A_22 = arith.constant 3 : index
    %get3A_23 = arith.constant 1 : index
    %get3A_24 = memref.load %arg2[%get3A_22, %get3A_23] : memref<7x7xf32, #tpu.memory_space<smem>>
    %get3A_25 = arith.constant 2 : index
    %get3A_26 = arith.constant 0 : index
    %get3A_27 = memref.load %arg1[%get3A_25, %get3A_26] : memref<5x5xf32, #tpu.memory_space<smem>>
    %add3A_28 = arith.addf %get3A_24, %get3A_27 : f32
    %slice3A_29 = vector.extract_strided_slice %concatenate3A {offsets = [0, 1], sizes = [5, 256], strides = [1, 1]} : vector<5x262xf32> to vector<5x256xf32>
    %mul3A_30 = vector.broadcast %add3A_28 : f32 to vector<5x256xf32>
    %mul3A_31 = arith.mulf %mul3A_30, %slice3A_29 : vector<5x256xf32>
    %add3A_32 = arith.addf %add3A_21, %mul3A_31 : vector<5x256xf32>
    %get3A_33 = arith.constant 3 : index
    %get3A_34 = arith.constant 2 : index
    %get3A_35 = memref.load %arg2[%get3A_33, %get3A_34] : memref<7x7xf32, #tpu.memory_space<smem>>
    %get3A_36 = arith.constant 2 : index
    %get3A_37 = arith.constant 1 : index
    %get3A_38 = memref.load %arg1[%get3A_36, %get3A_37] : memref<5x5xf32, #tpu.memory_space<smem>>
    %add3A_39 = arith.addf %get3A_35, %get3A_38 : f32
    %get3A_40 = arith.constant 1 : index
    %get3A_41 = arith.constant 0 : index
    %get3A_42 = memref.load %arg0[%get3A_40, %get3A_41] : memref<3x3xf32, #tpu.memory_space<smem>>
    %add3A_43 = arith.addf %add3A_39, %get3A_42 : f32
    %slice3A_44 = vector.extract_strided_slice %concatenate3A {offsets = [0, 2], sizes = [5, 256], strides = [1, 1]} : vector<5x262xf32> to vector<5x256xf32>
    %mul3A_45 = vector.broadcast %add3A_43 : f32 to vector<5x256xf32>
    %mul3A_46 = arith.mulf %mul3A_45, %slice3A_44 : vector<5x256xf32>
    %add3A_47 = arith.addf %add3A_32, %mul3A_46 : vector<5x256xf32>
    %get3A_48 = arith.constant 3 : index
    %get3A_49 = arith.constant 3 : index
    %get3A_50 = memref.load %arg2[%get3A_48, %get3A_49] : memref<7x7xf32, #tpu.memory_space<smem>>
    %get3A_51 = arith.constant 2 : index
    %get3A_52 = arith.constant 2 : index
    %get3A_53 = memref.load %arg1[%get3A_51, %get3A_52] : memref<5x5xf32, #tpu.memory_space<smem>>
    %add3A_54 = arith.addf %get3A_50, %get3A_53 : f32
    %get3A_55 = arith.constant 1 : index
    %get3A_56 = arith.constant 1 : index
    %get3A_57 = memref.load %arg0[%get3A_55, %get3A_56] : memref<3x3xf32, #tpu.memory_space<smem>>
    %add3A_58 = arith.addf %add3A_54, %get3A_57 : f32
    %slice3A_59 = vector.extract_strided_slice %concatenate3A {offsets = [0, 3], sizes = [5, 256], strides = [1, 1]} : vector<5x262xf32> to vector<5x256xf32>
    %mul3A_60 = vector.broadcast %add3A_58 : f32 to vector<5x256xf32>
    %mul3A_61 = arith.mulf %mul3A_60, %slice3A_59 : vector<5x256xf32>
    %add3A_62 = arith.addf %add3A_47, %mul3A_61 : vector<5x256xf32>
    %get3A_63 = arith.constant 3 : index
    %get3A_64 = arith.constant 4 : index
    %get3A_65 = memref.load %arg2[%get3A_63, %get3A_64] : memref<7x7xf32, #tpu.memory_space<smem>>
    %get3A_66 = arith.constant 2 : index
    %get3A_67 = arith.constant 3 : index
    %get3A_68 = memref.load %arg1[%get3A_66, %get3A_67] : memref<5x5xf32, #tpu.memory_space<smem>>
    %add3A_69 = arith.addf %get3A_65, %get3A_68 : f32
    %get3A_70 = arith.constant 1 : index
    %get3A_71 = arith.constant 2 : index
    %get3A_72 = memref.load %arg0[%get3A_70, %get3A_71] : memref<3x3xf32, #tpu.memory_space<smem>>
    %add3A_73 = arith.addf %add3A_69, %get3A_72 : f32
    %slice3A_74 = vector.extract_strided_slice %concatenate3A {offsets = [0, 4], sizes = [5, 256], strides = [1, 1]} : vector<5x262xf32> to vector<5x256xf32>
    %mul3A_75 = vector.broadcast %add3A_73 : f32 to vector<5x256xf32>
    %mul3A_76 = arith.mulf %mul3A_75, %slice3A_74 : vector<5x256xf32>
    %add3A_77 = arith.addf %add3A_62, %mul3A_76 : vector<5x256xf32>
    %get3A_78 = arith.constant 3 : index
    %get3A_79 = arith.constant 5 : index
    %get3A_80 = memref.load %arg2[%get3A_78, %get3A_79] : memref<7x7xf32, #tpu.memory_space<smem>>
    %get3A_81 = arith.constant 2 : index
    %get3A_82 = arith.constant 4 : index
    %get3A_83 = memref.load %arg1[%get3A_81, %get3A_82] : memref<5x5xf32, #tpu.memory_space<smem>>
    %add3A_84 = arith.addf %get3A_80, %get3A_83 : f32
    %slice3A_85 = vector.extract_strided_slice %concatenate3A {offsets = [0, 5], sizes = [5, 256], strides = [1, 1]} : vector<5x262xf32> to vector<5x256xf32>
    %mul3A_86 = vector.broadcast %add3A_84 : f32 to vector<5x256xf32>
    %mul3A_87 = arith.mulf %mul3A_86, %slice3A_85 : vector<5x256xf32>
    %add3A_88 = arith.addf %add3A_77, %mul3A_87 : vector<5x256xf32>
    %get3A_89 = arith.constant 3 : index
    %get3A_90 = arith.constant 6 : index
    %get3A_91 = memref.load %arg2[%get3A_89, %get3A_90] : memref<7x7xf32, #tpu.memory_space<smem>>
    %slice3A_92 = vector.extract_strided_slice %concatenate3A {offsets = [0, 6], sizes = [5, 256], strides = [1, 1]} : vector<5x262xf32> to vector<5x256xf32>
    %mul3A_93 = vector.broadcast %get3A_91 : f32 to vector<5x256xf32>
    %mul3A_94 = arith.mulf %mul3A_93, %slice3A_92 : vector<5x256xf32>
    %add3A_95 = arith.addf %add3A_88, %mul3A_94 : vector<5x256xf32>
    %get3A_96 = arith.constant 0 : index
    %get3A_97 = arith.constant 0 : index
    %get3A_98 = vector.load %arg7[%get3A_96, %get3A_97] : memref<16x256xf32, #tpu.memory_space<vmem>>, vector<16x256xf32>
    %dot_general3A = arith.constant dense<0.000000e+00> : vector<5x16xf32>
    %dot_general3A_99 = tpu.matmul %add3A_95, %get3A_98, %dot_general3A {dimension_numbers = #tpu.dot_dimension_numbers<[1], [1], [0], [0], [0, 0, 1, 0], [], []>, transpose_lhs_hint = false} : vector<5x256xf32>, vector<16x256xf32>, vector<5x16xf32> -> vector<5x16xf32>
    %get3A_100 = arith.constant 0 : index
    %get3A_101 = arith.constant 0 : index
    %get3A_102 = vector.load %arg8[%get3A_100, %get3A_101] : memref<1x16xf32, #tpu.memory_space<vmem>>, vector<1x16xf32>
    %add3A_103 = vector.broadcast %get3A_102 : vector<1x16xf32> to vector<5x16xf32>
    %add3A_104 = arith.addf %dot_general3A_99, %add3A_103 : vector<5x16xf32>
    %max3A = arith.constant 0.000000e+00 : f32
    %max3A_105 = vector.broadcast %max3A : f32 to vector<5x16xf32>
    %max3A_106 = arith.maximumf %add3A_104, %max3A_105 : vector<5x16xf32>
    %get3A_107 = arith.constant 0 : index
    %get3A_108 = arith.constant 0 : index
    %get3A_109 = vector.load %arg9[%get3A_107, %get3A_108] : memref<256x16xf32, #tpu.memory_space<vmem>>, vector<256x16xf32>
    %dot_general3A_110 = arith.constant dense<0.000000e+00> : vector<5x256xf32>
    %dot_general3A_111 = tpu.matmul %max3A_106, %get3A_109, %dot_general3A_110 {dimension_numbers = #tpu.dot_dimension_numbers<[1], [1], [0], [0], [0, 0, 1, 0], [], []>, transpose_lhs_hint = false} : vector<5x16xf32>, vector<256x16xf32>, vector<5x256xf32> -> vector<5x256xf32>
    %get3A_112 = arith.constant 0 : index
    %get3A_113 = arith.constant 0 : index
    %get3A_114 = vector.load %arg10[%get3A_112, %get3A_113] : memref<1x256xf32, #tpu.memory_space<vmem>>, vector<1x256xf32>
    %add3A_115 = vector.broadcast %get3A_114 : vector<1x256xf32> to vector<5x256xf32>
    %add3A_116 = arith.addf %dot_general3A_111, %add3A_115 : vector<5x256xf32>
    %logistic3A = arith.negf %add3A_116 : vector<5x256xf32>
    %logistic3A_117 = math.exp %logistic3A : vector<5x256xf32>
    %logistic3A_118 = arith.constant 1.000000e+00 : f32
    %logistic3A_119 = vector.broadcast %logistic3A_118 : f32 to vector<5x256xf32>
    %logistic3A_120 = arith.addf %logistic3A_119, %logistic3A_117 : vector<5x256xf32>
    %logistic3A_121 = arith.divf %logistic3A_119, %logistic3A_120 : vector<5x256xf32>
    %broadcast_in_dim3A_122 = vector.shape_cast %logistic3A_121 : vector<5x256xf32> to vector<5x256x1xf32>
    %slice3A_123 = vector.extract_strided_slice %get3A_2 {offsets = [0, 0, 286], sizes = [5, 256, 3], strides = [1, 1, 1]} : vector<5x256x625xf32> to vector<5x256x3xf32>
    %slice3A_124 = vector.extract_strided_slice %get3A_2 {offsets = [0, 0, 311], sizes = [5, 256, 3], strides = [1, 1, 1]} : vector<5x256x625xf32> to vector<5x256x3xf32>
    %slice3A_125 = vector.extract_strided_slice %get3A_2 {offsets = [0, 0, 336], sizes = [5, 256, 3], strides = [1, 1, 1]} : vector<5x256x625xf32> to vector<5x256x3xf32>
    %broadcast_in_dim3A_126 = arith.constant 0.000000e+00 : f32
    %broadcast_in_dim3A_127 = vector.broadcast %broadcast_in_dim3A_126 : f32 to vector<5x256x7xf32>
    %concatenate3A_128 = tpu.concatenate %slice3A_123, %slice3A_124, %slice3A_125, %broadcast_in_dim3A_127 in 2 : vector<5x256x3xf32>, vector<5x256x3xf32>, vector<5x256x3xf32>, vector<5x256x7xf32> -> vector<5x256x16xf32>
    %mul3A_129 = vector.broadcast %broadcast_in_dim3A_122 : vector<5x256x1xf32> to vector<5x256x16xf32>
    %mul3A_130 = arith.mulf %concatenate3A_128, %mul3A_129 : vector<5x256x16xf32>
    %swap3A = arith.constant 0 : index
    %swap3A_131 = arith.constant 0 : index
    %swap3A_132 = arith.constant 0 : index
    %swap3A_133 = vector.load %arg11[%swap3A, %swap3A_131, %swap3A_132] : memref<5x256x16xf32, #tpu.memory_space<vmem>>, vector<5x256x16xf32>
    tpu.vector_store %arg11[%swap3A, %swap3A_131, %swap3A_132], %mul3A_130 {strides = array<i32>} : memref<5x256x16xf32, #tpu.memory_space<vmem>>, vector<5x256x16xf32>,
    return
  }
}

</mosaic_0001>

<sc_bundles>
// kernel: kernel.4.cloned.1.call-start
scs
__scs_entry_jumppad:
0x0: {  	(pc) =	sbr.rel $0x88, $3  }
0x1: {  	(tag) =	ssettag $0x0;
	lr =	simm.s32 $0x1  }
0x2: {  	[smem:$0x3F96] =	sst lr;
	_ =	strace $0xD0000000  }
0x3: {  	_ = 	snop  }
0x4: {  	_ = 	snop  }
0x5: {  	_ = 	snop  }
0x6: {  	_ = 	snop  }
0x7: {  	_ = 	snop  }
__scs_overlays_trampoline_lowered:
0x8: {  	[smem:$0x3FA5] =	sst s0  }
0x9: {  	[smem:$0x3FA6] =	sst s1  }
0xa: {  	[smem:$0x3FA7] =	sst s2  }
0xb: {  	[smem:$0x3FA8] =	sst s3  }
0xc: {  	[smem:$0x3FA9] =	sst s4  }
0xd: {  	[smem:$0x3FAA] =	sst s5  }
0xe: {  	[smem:$0x3FAB] =	sst s6  }
0xf: {  	[smem:$0x3FAC] =	sst s7  }
0x10: {  	[smem:$0x3FAD] =	sst s8  }
0x11: {  	[smem:$0x3FAE] =	sst s9;
	s0 =	simm.s32 @!p0 $0x0  }
0x12: {  	s1 =	sld [smem:$0x3F94];
	s0 =	simm.s32 @p0 $0x1  }
0x13: {  	[smem:$0x3FAF] =	sst s0;
	s0 =	simm.s32 @!p1 $0x0  }
0x14: {  	s2 =	sld [smem:$0x3F93];
	s0 =	simm.s32 @p1 $0x1  }
0x15: {  	[smem:$0x3FB0] =	sst s0;
	s0 =	simm.s32 @!p2 $0x0  }
0x16: {  	s3 =	sld [smem:$0x3FDB];
	s0 =	simm.s32 @p2 $0x1  }
0x17: {  	s4 =	simm.s32 $0x1BF5;
	[smem:$0x3FB2] =	sst s0  }
0x18: {  	s0 =	sld [smem:$0x3F95];
	_ =	swait.ge [sflag:s4], $0x0  }
0x19: {  	s7 =	sld [smem:$0x3F96]  }
0x1a: {  	s8 =	sadd.s32 $0xFFFFE003, lr  }
0x1b: {  	s9 =	sadd.s32 $0xFFFFFEF7, lr;
	s5 =	simm.s32 $0xFFFFFFFF;
	p2 =	slt.u32 s8, $0xFFFFF086  }
0x1c: {  	p1 =	slt.u32 s9, $0xF7A;
	s5 =	simm.s32 @!p2 $0x0  }
0x1d: {  	s5 =	simm.s32 @p1 $0x1;
	p0 =	seq.s32 s7, s2  }
0x1e: {  	s7 =	smul.u32 @!p0 $0xF7A, s2;
	p2 =	seq.s32 @!p0 s5, $0x0  }
0x1f: {  	s9 =	smul.u32 $0xF7A, s1;
	s8 =	simm.s32 @!p0 $0x1BF5;
	p2 =	por !p2, p0  }
0x20: {  	[sflag:s8] =	ssyncset.s32 @!p0 $0xFFFFF086;
	s6 =	sadd.s32 @!p0 s3, s7;
	s7 =	simm.s32 @!p0 $0x108  }
0x21: {  	s3 =	sadd.s32 s3, s9;
	s6 =	sadd.s32 @!p0 $0x88, s6;
	s7 =	simm.s32 @p2 $0x1082  }
0x22: {  	[simem:s7], [sflag:s8] =	dma.local @!p0 [hbm:s6], $0xF7A  }
0x23: {  	s9 =	sor.u32 $0xD0000000, s2;
	s6 =	simm.s32 $0x108;
	_ =	swait.ge @!p0 [sflag:s8], $0x0  }
0x24: {  	s3 =	sadd.s32 $0x88, s3;
	s6 =	simm.s32 @!p1 $0x1082;
	[sflag:s4] =	ssyncset.s32 $0xFFFFF086  }
0x25: {  	[simem:s6], [sflag:s4] =	dma.local [hbm:s3], $0xF7A  }
0x26: {  	[smem:$0x3F96] =	sst s1;
	(tag) =	ssettag s2;
	_ =	strace s9  }
0x27: {  	s1 =	sld [smem:$0x3FA6]  }
0x28: {  	s2 =	sld [smem:$0x3FA7]  }
0x29: {  	s4 =	sld [smem:$0x3FA9]  }
0x2a: {  	p0 =	seq.s32 s5, $0x0;
	s5 =	sld [smem:$0x3FAA]  }
0x2b: {  	s6 =	sld [smem:$0x3FAB]  }
0x2c: {  	s7 =	sld [smem:$0x3FAC]  }
0x2d: {  	s3 =	simm.s32 $0x108;
	s8 =	sld [smem:$0x3FAD]  }
0x2e: {  	s3 =	simm.s32 @!p0 $0x1082;
	s9 =	sld [smem:$0x3FAE]  }
0x2f: {  	lr =	sadd.s32 s0, s3;
	s0 =	sld [smem:$0x3FA5]  }
0x30: {  	s3 =	sld [smem:$0x3FA8]  }
0x31: {  	[smem:$0x3FB1] =	sst s10  }
0x32: {  	s10 =	sld [smem:$0x3FAF];
	_ =	sdelay $0x3  }
0x33: {  	p0 =	seq.s32 s10, $0x1;
	s10 =	sld [smem:$0x3FB1];
	_ =	sdelay $0x3  }
0x34: {  	[smem:$0x3FB1] =	sst s10  }
0x35: {  	s10 =	sld [smem:$0x3FB0];
	_ =	sdelay $0x3  }
0x36: {  	p1 =	seq.s32 s10, $0x1;
	s10 =	sld [smem:$0x3FB1];
	_ =	sdelay $0x3  }
0x37: {  	[smem:$0x3FB1] =	sst s10  }
0x38: {  	s10 =	sld [smem:$0x3FB2]  }
0x39: {  	_ = 	snop;
	(pc) =	sbr.ind lr, $3  }
0x3a: {  	_ = 	snop  }
0x3b: {  	_ = 	snop  }
0x3c: {  	p2 =	seq.s32 s10, $0x1;
	s10 =	sld [smem:$0x3FB1]  }
0x3d: {  	_ =	shalt  }
0x3e: {  	_ =	shalt  }
0x3f: {  	_ =	shalt  }
0x40: {  	_ =	shalt  }
0x41: {  	_ =	shalt  }
0x42: {  	_ =	shalt  }
0x43: {  	_ =	shalt  }
0x44: {  	_ =	shalt  }
0x45: {  	_ =	shalt  }
0x46: {  	_ =	shalt  }
0x47: {  	_ =	shalt  }
0x48: {  	_ =	shalt  }
0x49: {  	_ =	shalt  }
0x4a: {  	_ =	shalt  }
0x4b: {  	_ =	shalt  }
0x4c: {  	_ =	shalt  }
0x4d: {  	_ =	shalt  }
0x4e: {  	_ =	shalt  }
0x4f: {  	_ =	shalt  }
0x50: {  	_ =	shalt  }
0x51: {  	_ =	shalt  }
0x52: {  	_ =	shalt  }
0x53: {  	_ =	shalt  }
0x54: {  	_ =	shalt  }
0x55: {  	_ =	shalt  }
0x56: {  	_ =	shalt  }
0x57: {  	_ =	shalt  }
0x58: {  	_ =	shalt  }
0x59: {  	_ =	shalt  }
0x5a: {  	_ =	shalt  }
0x5b: {  	_ =	shalt  }
0x5c: {  	_ =	shalt  }
0x5d: {  	_ =	shalt  }
0x5e: {  	_ =	shalt  }
0x5f: {  	_ =	shalt  }
0x60: {  	_ =	shalt  }
0x61: {  	_ =	shalt  }
0x62: {  	_ =	shalt  }
0x63: {  	_ =	shalt  }
0x64: {  	_ =	shalt  }
0x65: {  	_ =	shalt  }
0x66: {  	_ =	shalt  }
0x67: {  	_ =	shalt  }
0x68: {  	_ =	shalt  }
0x69: {  	_ =	shalt  }
0x6a: {  	_ =	shalt  }
0x6b: {  	_ =	shalt  }
0x6c: {  	_ =	shalt  }
0x6d: {  	_ =	shalt  }
0x6e: {  	_ =	shalt  }
0x6f: {  	_ =	shalt  }
0x70: {  	_ =	shalt  }
0x71: {  	_ =	shalt  }
0x72: {  	_ =	shalt  }
0x73: {  	_ =	shalt  }
0x74: {  	_ =	shalt  }
0x75: {  	_ =	shalt  }
0x76: {  	_ =	shalt  }
0x77: {  	_ =	shalt  }
0x78: {  	_ =	shalt  }
0x79: {  	_ =	shalt  }
0x7a: {  	_ =	shalt  }
0x7b: {  	_ =	shalt  }
0x7c: {  	_ =	shalt  }
0x7d: {  	_ =	shalt  }
0x7e: {  	_ =	shalt  }
0x7f: {  	_ =	shalt  }
0x80: {  	_ =	shalt  }
0x81: {  	_ =	shalt  }
0x82: {  	_ =	shalt  }
0x83: {  	_ =	shalt  }
0x84: {  	_ =	shalt  }
0x85: {  	_ =	shalt  }
0x86: {  	_ =	shalt  }
0x87: {  	_ =	shalt  }
.Lfunc_end0:
.L_simem_size_0:
called_computation_lowered:
.L_overlay_start_0:
0x88: {  	s2 =	sld [smem:$0x3FD9]  }
0x89: {  	s3 =	sld [smem:$0x3FFE];
	_ =	sdelay $0x1  }
0x8a: {  	s1 =	srdreg.scid  }
0x8b: {  	s0 =	sand.u32 $0x1, s1  }
0x8c: {  	s17 =	sshll.u32 s0, $0xA;
	s2 =	sadd.s32 s3, s2  }
0x8d: {  	s2 =	sadd.s32 s2, s17  }
0x8e: {  	[smem:$0x3FBD] =	sst s2  }
0x8f: {  	_ = 	snop  }
0x90: {  	s2 =	sld [smem:$0x3FD0];
	(tm) =	ssettm $0x1  }
0x91: {  	s18 =	sld [smem:$0x3FFB];
	_ =	sdelay $0x3  }
0x92: {  	_ =	strace s18  }
0x93: {  	s3 =	sld [smem:$0x3FFC];
	_ =	sdelay $0x3  }
0x94: {  	_ =	strace s3  }
0x95: {  	s3 =	sld [smem:$0x3FFD];
	_ =	sdelay $0x3  }
0x96: {  	_ =	strace s3  }
0x97: {  	_ =	strace $0x8FFFFFFF  }
0x98: {  	s19 =	sld [smem:$0x3FDB];
	_ =	sdelay $0x1  }
0x99: {  	s4 =	simm.s32 $_scs_section_size  }
0x9a: {  	s5 =	simm.s32 $_size__tile_overlayer_lowered;
	s6 =	simm.s32 $_tile_overlayer_lowered  }
0x9b: {  	s22 =	simm.s32 $0x1BFF;
	s21 =	sshll.u32 s6, $0x1;
	s3 =	sadd.s32 s4, s19  }
0x9c: {  	s7 =	simm.s32 $0x0;
	s20 =	sshll.u32 s5, $0x1;
	s5 =	sadd.s32 s21, s3  }
0x9d: {  	[timem:s7], [sflag:s22] =	dma.local [hbm:s5], s20  }
0x9e: {  	_ =	swait.ge [sflag:s22], s20  }
0x9f: {  	s4 =	ssub.s32 $0x0, s20;
	[sflag:s22] =	ssyncset.done $0x0  }
0xa0: {  	[sflag:s22] =	ssyncadd.s32 s4;
	_ =	sdelay $0x1  }
0xa1: {  	s23 =	simm.s32 $0x1B8B  }
0xa2: {  	_ =	swait.ge [sflag:s23], $0x1  }
0xa3: {  	[sflag:s23] =	ssyncset.done $0x0  }
0xa4: {  	s25 =	simm.s32 $0x1B8E;
	s24 =	sld [smem:$0x3FFE];
	[sflag:s23] =	ssyncadd.s32 $0xFFFFFFFF  }
0xa5: {  	s26 =	simm.s32 $execute0_lowered;
	[smem:$0x3FD2] =	sst s25  }
0xa6: {  	s5 =	sshll.u32 s26, $0x1;
	_ =	strace $0x80000046;
	[dreg:$0x1] =	wrdreg $0xFFFFFFFF  }
0xa7: {  	s28 =	simm.s32 $_size_execute0_lowered;
	s3 =	sadd.s32 s3, s5;
	[dreg:$0x0] =	wrdreg $0x0  }
0xa8: {  	s5 =	sshll.u32 s28, $0x1;
	[dreg:$0x2] =	wrdreg s3  }
0xa9: {  	[dreg:$0x3] =	wrdreg s5  }
0xaa: {  	[dreg:$0x4] =	wrdreg $0xC0  }
0xab: {  	_ =	task [dreg:s7], $0x5FFFF  }
0xac: {  	[dreg:$0x1] =	wrdreg $0xFFFFFFFF  }
0xad: {  	[dreg:$0x0] =	wrdreg $0x60  }
0xae: {  	[dreg:$0x2] =	wrdreg s24  }
0xaf: {  	[dreg:$0x3] =	wrdreg s2  }
0xb0: {  	[dreg:$0x4] =	wrdreg $0x9  }
0xb1: {  	_ =	task.clear_ibuf [dreg:s7], $0x5FFFF;
	_ =	strace $0x90000046  }
0xb2: {  	s29 =	simm.s32 $0x9;
	_ =	strace $0x80000048  }
0xb3: {  	_ =	swait.ge [sflag:s29], $0x1  }
0xb4: {  	[sflag:s29] =	ssyncadd.s32 $0xFFFFFFFF  }
0xb5: {  	_ =	strace $0x90000048  }
0xb6: {  	_ =	sfence  }
0xb7: {  	s30 =	sld [smem:$0x0];
	_ =	sdelay $0x2  }
0xb8: {  	s31 =	sshll.u32 s1, $0xD;
	s1 =	sshrl.u32 s1, $0x2  }
0xb9: {  	s3 =	sand.u32 $0x4000, s31;
	s1 =	sadd.s32 s1, s30  }
0xba: {  	s0 =	sor.u32 s3, s0;
	s1 =	sshll.u32 s1, $0x11  }
0xbb: {  	s0 =	sor.u32 s1, s0  }
0xbc: {  	s0 =	sadd.s32 $0x8F2B, s0  }
0xbd: {  	[sflag:s0] =	ssyncadd.remote.s32 $0x1  }
0xbe: {  	_ =	sfence.sel $0xFFFF  }
0xbf: {  	[dreg:$0x0] =	wrdreg $0xFFFFFFFF;
	(pc) =	sbr.abs _section_cstart, $3  }
0xc0: {  	[dreg:$0x1] =	wrdreg $0xFFFFFFFF  }
0xc1: {  	_ =	task.clear_ibuf [dreg:s7], $0x2FFFF;
	_ =	strace $0x9FFFFFFF  }
0xc2: {  	(tm) =	ssettm $0x7FFFFFFF  }
0xc3: {  	_ =	shalt  }
tec
execute0_lowered:
.L_overlay_start_1:
0x0: {  	(tag) =	ssettag $0x1  }
0x1: {  	s4 =	rddreg [dreg:$0x0]  }
0x2: {  	s5 =	rddreg [dreg:$0x1]  }
0x3: {  	s0 =	rddreg [dreg:$0x2]  }
0x4: {  	s2 =	simm.s32 $0x0;
	s3 =	srdreg.scid;
	s1 =	stileid.u32  }
0x5: {  	[smem:$0x7FF] =	sst s2;
	s3 =	sand.u32 $0x1, s3;
	s6 =	sshll.u32 s1, $0x1  }
0x6: {  	_ =	strace $0x80000047;
	s6 =	sor.u32 s3, s6;
	s7 =	ssub.s32 $0x2, s3  }
0x7: {  	s3 =	sadd.s32 $0x1800, s4;
	s8 =	sshll.u32 s6, $0xB;
	s9 =	sshrl.u32 s7, $0x1  }
0x8: {  	s31 =	sshll.u32 s6, $0x7;
	s8 =	sadd.s32 s8, s4;
	s7 =	ssub.s32 s7, s9  }
0x9: {  	s4 =	sadd.s32 s5, s31;
	s9 =	simm.s32 $0x0;
	s5 =	sadd.s32 $0x2200, s8  }
0xa: {  	s6 =	smax.u32 s7, $0x1;
	s7 =	simm.s32 $0x1;
	s8 =	simm.s32 $0x5400  }
.LBB2_1:
0xb: {  	[tilespmem:s2], [sflag:$0x1] =	stream.linear.gather [hbm4b:s3+s2], $0x5000, $0x38;
	[tilespmem:$0x9400] =	vst v63  }
0xc: {  	_ =	swait.ge [sflag:s7], $0x5000  }
0xd: {  	[sflag:s7] =	ssyncset.done $0x0  }
0xe: {  	s10 =	simm.s32 $0x5000;
	[sflag:s7] =	ssyncadd.s32 $0xFFFFB000  }
0xf: {  	[tilespmem:s10], [sflag:$0x1] =	stream.linear.gather [hbm4b:s4+s2], $0x400, $0x38;
	[tilespmem:$0x9400] =	vst v63  }
0x10: {  	_ =	swait.ge [sflag:s7], $0x400  }
0x11: {  	p0 =	por $0x0, $0x0;
	[sflag:s7] =	ssyncset.done $0x0  }
0x12: {  	s11 =	simm.s32 $0x0;
	s12 =	simm.s32 $0x0;
	[sflag:s7] =	ssyncadd.s32 $0xFFFFFC00  }
.LBB2_2:
0x13: {  	v0 =	vld [tilespmem:s10+$0x0];
	_ =	sdelay $0x4  }
0x14: {  	v0 =	vshll.u32 v0, $0x4;
	_ =	sdelay $0x4  }
0x15: {  	v1 =	vld.idx.msk [tilespmem:v0+s2+$0x0], $0xffff  }
0x16: {  	v2 =	vor.u32 $0x1, v0  }
0x17: {  	s15 =	sand.u32 $0x1C00, s12  }
0x18: {  	s16 =	sand.u32 $0x40, s11;
	s13 =	sadd.s32 $0x5400, s15  }
0x19: {  	s14 =	sor.u32 s16, s13  }
0x1a: {  	[tilespmem:s14+$0x0] =	vst v1  }
0x1b: {  	v1 =	vld.idx.msk [tilespmem:v2+s2+$0x0], $0xffff  }
0x1c: {  	v37 =	vor.u32 $0x2, v0;
	_ =	sdelay $0x3  }
0x1d: {  	[tilespmem:s14+$0x80] =	vst v1  }
0x1e: {  	v1 =	vld.idx.msk [tilespmem:v37+s2+$0x0], $0xffff  }
0x1f: {  	v38 =	vor.u32 $0x3, v0;
	_ =	sdelay $0x3  }
0x20: {  	[tilespmem:s14+$0x100] =	vst v1  }
0x21: {  	v1 =	vld.idx.msk [tilespmem:v38+s2+$0x0], $0xffff  }
0x22: {  	v39 =	vor.u32 $0x4, v0;
	_ =	sdelay $0x3  }
0x23: {  	[tilespmem:s14+$0x180] =	vst v1  }
0x24: {  	s14 =	simm.s32 $0x1;
	v1 =	vld.idx.msk [tilespmem:v39+s2+$0x0], $0xffff  }
0x25: {  	v40 =	vor.u32 $0x5, v0;
	s14 =	simm.s32 @!p0 $0x0  }
0x26: {  	s14 =	sshll.u32 s14, $0x6  }
0x27: {  	s14 =	sadd.s32 s14, s12  }
0x28: {  	s17 =	sor.u32 $0x200, s14  }
0x29: {  	[tilespmem:s17+$0x5400] =	vst v1  }
0x2a: {  	v1 =	vld.idx.msk [tilespmem:v40+s2+$0x0], $0xffff  }
0x2b: {  	v41 =	vor.u32 $0x6, v0;
	_ =	sdelay $0x2  }
0x2c: {  	s20 =	sor.u32 $0x280, s14  }
0x2d: {  	[tilespmem:s20+$0x5400] =	vst v1  }
0x2e: {  	v1 =	vld.idx.msk [tilespmem:v41+s2+$0x0], $0xffff  }
0x2f: {  	v42 =	vor.u32 $0x7, v0;
	_ =	sdelay $0x2  }
0x30: {  	s21 =	sor.u32 $0x300, s14  }
0x31: {  	[tilespmem:s21+$0x5400] =	vst v1  }
0x32: {  	v1 =	vld.idx.msk [tilespmem:v42+s2+$0x0], $0xffff  }
0x33: {  	v0 =	vor.u32 $0x8, v0;
	_ =	sdelay $0x1  }
0x34: {  	s22 =	sor.u32 s12, s11  }
0x35: {  	s17 =	sor.u32 $0x380, s22  }
0x36: {  	[tilespmem:s17+$0x5400] =	vst v1  }
0x37: {  	v0 =	vld.idx.msk [tilespmem:v0+s2+$0x0], $0xffff;
	_ =	sdelay $0x2  }
0x38: {  	s23 =	sand.u32 $0x380, s11;
	s15 =	sadd.s32 $0x7400, s15  }
0x39: {  	s19 =	sor.u32 $0x10, s16;
	s18 =	sor.u32 s16, s15;
	s17 =	sor.u32 $0x5000, s23  }
0x3a: {  	s24 =	sor.u32 s19, s17;
	[tilespmem:s18+$0x0] =	vst v0  }
0x3b: {  	v0 =	vld [tilespmem:s24+$0x0];
	_ =	sdelay $0x4  }
0x3c: {  	v0 =	vshll.u32 v0, $0x4;
	_ =	sdelay $0x4  }
0x3d: {  	v1 =	vld.idx.msk [tilespmem:v0+s2+$0x0], $0xffff  }
0x3e: {  	v43 =	vor.u32 $0x1, v0;
	_ =	sdelay $0x2  }
0x3f: {  	s25 =	sor.u32 s19, s13  }
0x40: {  	[tilespmem:s25+$0x0] =	vst v1  }
0x41: {  	v1 =	vld.idx.msk [tilespmem:v43+s2+$0x0], $0xffff  }
0x42: {  	v44 =	vor.u32 $0x2, v0;
	_ =	sdelay $0x3  }
0x43: {  	[tilespmem:s25+$0x80] =	vst v1  }
0x44: {  	v1 =	vld.idx.msk [tilespmem:v44+s2+$0x0], $0xffff  }
0x45: {  	v45 =	vor.u32 $0x3, v0;
	_ =	sdelay $0x3  }
0x46: {  	[tilespmem:s25+$0x100] =	vst v1  }
0x47: {  	v1 =	vld.idx.msk [tilespmem:v45+s2+$0x0], $0xffff  }
0x48: {  	v46 =	vor.u32 $0x4, v0;
	_ =	sdelay $0x3  }
0x49: {  	[tilespmem:s25+$0x180] =	vst v1  }
0x4a: {  	v1 =	vld.idx.msk [tilespmem:v46+s2+$0x0], $0xffff  }
0x4b: {  	v47 =	vor.u32 $0x5, v0;
	_ =	sdelay $0x1  }
0x4c: {  	s26 =	sadd.s32 $0x10, s14  }
0x4d: {  	s20 =	sor.u32 $0x200, s26  }
0x4e: {  	[tilespmem:s20+$0x5400] =	vst v1  }
0x4f: {  	v1 =	vld.idx.msk [tilespmem:v47+s2+$0x0], $0xffff  }
0x50: {  	v48 =	vor.u32 $0x6, v0;
	_ =	sdelay $0x2  }
0x51: {  	s28 =	sor.u32 $0x280, s26  }
0x52: {  	[tilespmem:s28+$0x5400] =	vst v1  }
0x53: {  	v1 =	vld.idx.msk [tilespmem:v48+s2+$0x0], $0xffff  }
0x54: {  	v49 =	vor.u32 $0x7, v0;
	_ =	sdelay $0x2  }
0x55: {  	s29 =	sor.u32 $0x300, s26  }
0x56: {  	[tilespmem:s29+$0x5400] =	vst v1  }
0x57: {  	v1 =	vld.idx.msk [tilespmem:v49+s2+$0x0], $0xffff  }
0x58: {  	v0 =	vor.u32 $0x8, v0;
	_ =	sdelay $0x2  }
0x59: {  	s18 =	sor.u32 $0x380, s26  }
0x5a: {  	[tilespmem:s18+$0x5400] =	vst v1  }
0x5b: {  	v0 =	vld.idx.msk [tilespmem:v0+s2+$0x0], $0xffff;
	_ =	sdelay $0x3  }
0x5c: {  	s31 =	sor.u32 $0x20, s16;
	s30 =	sor.u32 s19, s15  }
0x5d: {  	s20 =	sor.u32 s31, s17;
	[tilespmem:s30+$0x0] =	vst v0  }
0x5e: {  	v0 =	vld [tilespmem:s20+$0x0];
	_ =	sdelay $0x4  }
0x5f: {  	v0 =	vshll.u32 v0, $0x4;
	_ =	sdelay $0x4  }
0x60: {  	v1 =	vld.idx.msk [tilespmem:v0+s2+$0x0], $0xffff  }
0x61: {  	v50 =	vor.u32 $0x1, v0;
	_ =	sdelay $0x2  }
0x62: {  	s21 =	sor.u32 s31, s13  }
0x63: {  	[tilespmem:s21+$0x0] =	vst v1  }
0x64: {  	v1 =	vld.idx.msk [tilespmem:v50+s2+$0x0], $0xffff  }
0x65: {  	v51 =	vor.u32 $0x2, v0;
	_ =	sdelay $0x3  }
0x66: {  	[tilespmem:s21+$0x80] =	vst v1  }
0x67: {  	v1 =	vld.idx.msk [tilespmem:v51+s2+$0x0], $0xffff  }
0x68: {  	v52 =	vor.u32 $0x3, v0;
	_ =	sdelay $0x3  }
0x69: {  	[tilespmem:s21+$0x100] =	vst v1  }
0x6a: {  	v1 =	vld.idx.msk [tilespmem:v52+s2+$0x0], $0xffff  }
0x6b: {  	v53 =	vor.u32 $0x4, v0;
	_ =	sdelay $0x3  }
0x6c: {  	[tilespmem:s21+$0x180] =	vst v1  }
0x6d: {  	v1 =	vld.idx.msk [tilespmem:v53+s2+$0x0], $0xffff  }
0x6e: {  	v54 =	vor.u32 $0x5, v0;
	_ =	sdelay $0x1  }
0x6f: {  	s22 =	sadd.s32 $0x20, s14  }
0x70: {  	s23 =	sor.u32 $0x200, s22  }
0x71: {  	[tilespmem:s23+$0x5400] =	vst v1  }
0x72: {  	v1 =	vld.idx.msk [tilespmem:v54+s2+$0x0], $0xffff  }
0x73: {  	v55 =	vor.u32 $0x6, v0;
	_ =	sdelay $0x2  }
0x74: {  	s24 =	sor.u32 $0x280, s22  }
0x75: {  	[tilespmem:s24+$0x5400] =	vst v1  }
0x76: {  	v1 =	vld.idx.msk [tilespmem:v55+s2+$0x0], $0xffff  }
0x77: {  	v56 =	vor.u32 $0x7, v0;
	_ =	sdelay $0x2  }
0x78: {  	s25 =	sor.u32 $0x300, s22  }
0x79: {  	[tilespmem:s25+$0x5400] =	vst v1  }
0x7a: {  	v1 =	vld.idx.msk [tilespmem:v56+s2+$0x0], $0xffff  }
0x7b: {  	v0 =	vor.u32 $0x8, v0;
	_ =	sdelay $0x2  }
0x7c: {  	s18 =	sor.u32 $0x380, s22  }
0x7d: {  	[tilespmem:s18+$0x5400] =	vst v1  }
0x7e: {  	v0 =	vld.idx.msk [tilespmem:v0+s2+$0x0], $0xffff;
	_ =	sdelay $0x3  }
0x7f: {  	s16 =	sor.u32 $0x30, s16;
	s26 =	sor.u32 s31, s15  }
0x80: {  	s17 =	sor.u32 s16, s17;
	[tilespmem:s26+$0x0] =	vst v0  }
0x81: {  	v0 =	vld [tilespmem:s17+$0x0];
	_ =	sdelay $0x4  }
0x82: {  	v0 =	vshll.u32 v0, $0x4;
	_ =	sdelay $0x4  }
0x83: {  	v1 =	vld.idx.msk [tilespmem:v0+s2+$0x0], $0xffff  }
0x84: {  	v57 =	vor.u32 $0x1, v0;
	_ =	sdelay $0x2  }
0x85: {  	s13 =	sor.u32 s16, s13  }
0x86: {  	[tilespmem:s13+$0x0] =	vst v1  }
0x87: {  	v1 =	vld.idx.msk [tilespmem:v57+s2+$0x0], $0xffff  }
0x88: {  	v58 =	vor.u32 $0x2, v0;
	_ =	sdelay $0x3  }
0x89: {  	[tilespmem:s13+$0x80] =	vst v1  }
0x8a: {  	v1 =	vld.idx.msk [tilespmem:v58+s2+$0x0], $0xffff  }
0x8b: {  	v59 =	vor.u32 $0x3, v0;
	_ =	sdelay $0x3  }
0x8c: {  	[tilespmem:s13+$0x100] =	vst v1  }
0x8d: {  	v1 =	vld.idx.msk [tilespmem:v59+s2+$0x0], $0xffff  }
0x8e: {  	v60 =	vor.u32 $0x4, v0;
	_ =	sdelay $0x3  }
0x8f: {  	[tilespmem:s13+$0x180] =	vst v1  }
0x90: {  	v1 =	vld.idx.msk [tilespmem:v60+s2+$0x0], $0xffff  }
0x91: {  	v61 =	vor.u32 $0x5, v0;
	_ =	sdelay $0x1  }
0x92: {  	s28 =	sadd.s32 $0x30, s14  }
0x93: {  	s14 =	sor.u32 $0x200, s28  }
0x94: {  	[tilespmem:s14+$0x5400] =	vst v1  }
0x95: {  	v1 =	vld.idx.msk [tilespmem:v61+s2+$0x0], $0xffff  }
0x96: {  	v62 =	vor.u32 $0x6, v0;
	_ =	sdelay $0x2  }
0x97: {  	s29 =	sor.u32 $0x280, s28  }
0x98: {  	[tilespmem:s29+$0x5400] =	vst v1  }
0x99: {  	v1 =	vld.idx.msk [tilespmem:v62+s2+$0x0], $0xffff  }
0x9a: {  	v63 =	vor.u32 $0x7, v0;
	_ =	sdelay $0x2  }
0x9b: {  	s30 =	sor.u32 $0x300, s28  }
0x9c: {  	[tilespmem:s30+$0x5400] =	vst v1  }
0x9d: {  	v1 =	vld.idx.msk [tilespmem:v63+s2+$0x0], $0xffff  }
0x9e: {  	v0 =	vor.u32 $0x8, v0;
	_ =	sdelay $0x2  }
0x9f: {  	s13 =	sor.u32 $0x380, s28  }
0xa0: {  	[tilespmem:s13+$0x5400] =	vst v1  }
0xa1: {  	p1 =	sne.s32 s12, $0x1E00;
	v0 =	vld.idx.msk [tilespmem:v0+s2+$0x0], $0xffff  }
.Ltmp0:
0xa2: {  	_ = 	snop;
	(pc) =	sbr.rel @p1 .LBB2_2-.Ltmp0, $3  }
0xa3: {  	_ =	sdelay $0x1  }
0xa4: {  	s11 =	sadd.s32 $0x40, s11;
	s31 =	sor.u32 s16, s15  }
0xa5: {  	s10 =	sadd.s32 $0x40, s10;
	p0 =	por !p0, !p0;
	s12 =	sadd.s32 $0x200, s12;
	[tilespmem:s31+$0x0] =	vst v0  }
0xa6: {  	s9 =	sadd.s32 $0x1, s9  }
0xa7: {  	p0 =	sne.s32 s9, s6  }
.Ltmp1:
0xa8: {  	_ = 	snop;
	(pc) =	sbr.rel @p0 .LBB2_1-.Ltmp1, $4  }
0xa9: {  	[hbm4b:s5+s2] =	stream.linear.scatter [tilespmem:s8], [sflag:$0x1], $0x4000, $0x38;
	[tilespmem:$0x9400] =	vst v63  }
0xaa: {  	_ =	swait.ge [sflag:s7], $0x4000  }
0xab: {  	[sflag:s7] =	ssyncset.done $0x0  }
0xac: {  	[sflag:s7] =	ssyncadd.s32 $0xFFFFC000  }
0xad: {  	_ =	sfence.sel $0x180000  }
0xae: {  	[bflag:$0x0] =	sbarrier.arrive $0xFFFF  }
0xaf: {  	p0 =	sne.s32 s1, $0x0;
	_ =	strace $0x90000047  }
0xb0: {  	s0 =	sadd.s32 @!p0 $0x100000, s0;
	[bflag:$0x2] =	sbarrier.arrive $0xFFFF  }
0xb1: {  	[sflag:s0] =	ssyncadd.tile.s32 @!p0 $0x1;
	_ =	shalt  }
.Lfunc_end2:
_tile_overlayer_lowered:
.L_overlay_start_2:
0xb2: {  	(tag) =	ssettag $0x2  }
0xb3: {  	s0 =	rddreg [dreg:$0x0];
	s2 =	stileid.u32  }
0xb4: {  	s1 =	rddreg [dreg:$0x1];
	p0 =	sne.s32 s2, $0x0  }
0xb5: {  	s3 =	rddreg [dreg:$0x2];
	[bflag:$0x3] =	sbarrier.arrive $0xFFFF;
	s2 =	simm.s32 @!p0 $0x1C01  }
0xb6: {  	[timem:s3], [sflag:s2] =	dma.local @!p0 [hbm:s0], s1  }
0xb7: {  	s0 =	simm.s32 @!p0 $0x1  }
0xb8: {  	_ =	swait.ge @!p0 [sflag:s0], s1  }
0xb9: {  	s1 =	ssub.s32 @!p0 $0x0, s1;
	[sflag:s0] =	ssyncset.done @!p0 $0x0  }
0xba: {  	[sflag:s0] =	ssyncadd.s32 @!p0 s1  }
0xbb: {  	[bflag:$0x3] =	sbarrier.arrive $0xFFFF  }
0xbc: {  	_ =	shalt  }

</sc_bundles>
